<compile_context>
chip_gen: v7x
topology: tpu7x:2x2x1
jax: 0.10.2.dev20260603
libtpu: 0.0.44.dev20260713+nightly
codegen_flags: <defaults>
</compile_context>

<pallas_src>
import functools

import jax
import jax.numpy as jnp
from jax.experimental import pallas as pl
from jax.experimental.pallas import tpu as pltpu
from jax.experimental.pallas import tpu_sc as plsc

_CONV_PREC = None
_VQ_PREC = None


def _pick_tm(m):
    for tm in (1024, 896, 784, 672, 512, 448, 392, 256, 224, 128, 112, 64, 56, 32, 16, 8):
        if m % tm == 0:
            return tm
    return m


def _mm_body(x_ref, w_ref, b_ref, o_ref, *, relu, prec):
    acc = jnp.dot(x_ref[...], w_ref[...], preferred_element_type=jnp.float32,
                  precision=prec)
    acc = acc + b_ref[...]
    if relu:
        acc = jnp.maximum(acc, 0.0)
    o_ref[...] = acc


def _gemm(x, w, b, relu=False, prec=_CONV_PREC):
    m, k = x.shape
    n = w.shape[1]
    tm = _pick_tm(m)
    return pl.pallas_call(
        functools.partial(_mm_body, relu=relu, prec=prec),
        grid=(m // tm,),
        in_specs=[
            pl.BlockSpec((tm, k), lambda i: (i, 0)),
            pl.BlockSpec((k, n), lambda i: (0, 0)),
            pl.BlockSpec((1, n), lambda i: (0, 0)),
        ],
        out_specs=pl.BlockSpec((tm, n), lambda i: (i, 0)),
        out_shape=jax.ShapeDtypeStruct((m, n), jnp.float32),
    )(x, w, b)


def _mm4_body(x_ref, w_ref, b_ref, o_ref, *, relu, prec):
    acc = jnp.dot(x_ref[0], w_ref[0], preferred_element_type=jnp.float32,
                  precision=prec)
    acc = acc + b_ref[...]
    if relu:
        acc = jnp.maximum(acc, 0.0)
    o_ref[0] = acc


def _gemm4(x, w, b, relu=False, prec=_CONV_PREC):
    _, m, k = x.shape
    n = w.shape[2]
    tm = _pick_tm(m)
    return pl.pallas_call(
        functools.partial(_mm4_body, relu=relu, prec=prec),
        grid=(4, m // tm),
        in_specs=[
            pl.BlockSpec((1, tm, k), lambda p, i: (p, i, 0)),
            pl.BlockSpec((1, k, n), lambda p, i: (p, 0, 0)),
            pl.BlockSpec((1, n), lambda p, i: (0, 0)),
        ],
        out_specs=pl.BlockSpec((1, tm, n), lambda p, i: (p, i, 0)),
        out_shape=jax.ShapeDtypeStruct((4, m, n), jnp.float32),
    )(x, w, b)


def _mm_taps_body(x_ref, w_ref, b_ref, o_ref, *, relu, prec, ntap):
    t = pl.program_id(1)
    part = jnp.dot(x_ref[0, 0], w_ref[0], preferred_element_type=jnp.float32,
                   precision=prec)

    @pl.when(t == 0)
    def _():
        o_ref[...] = part

    @pl.when(t > 0)
    def _():
        o_ref[...] += part

    @pl.when(t == ntap - 1)
    def _():
        acc = o_ref[...] + b_ref[...]
        o_ref[...] = jnp.maximum(acc, 0.0) if relu else acc


def _gemm_taps(x, w, b, ctap, relu=False, prec=_CONV_PREC):
    m, k = x.shape
    n = w.shape[1]
    tm = _pick_tm(m)
    ntap = k // ctap
    xt = x.reshape(m // tm, tm, ntap, ctap).transpose(0, 2, 1, 3)
    wt = w.reshape(ntap, ctap, n)
    out = pl.pallas_call(
        functools.partial(_mm_taps_body, relu=relu, prec=prec, ntap=ntap),
        grid=(m // tm, ntap),
        in_specs=[
            pl.BlockSpec((1, 1, tm, ctap), lambda i, t: (i, t, 0, 0)),
            pl.BlockSpec((1, ctap, n), lambda i, t: (t, 0, 0)),
            pl.BlockSpec((1, n), lambda i, t: (0, 0)),
        ],
        out_specs=pl.BlockSpec((tm, n), lambda i, t: (i, 0)),
        out_shape=jax.ShapeDtypeStruct((m, n), jnp.float32),
    )(xt, wt, b)
    return out


def _im2col_s2(x):
    b, h, w, c = x.shape
    ho, wo = h // 2, w // 2
    xp = jnp.pad(x, ((0, 0), (1, 1), (1, 1), (0, 0)))
    taps = [xp[:, di:di + 2 * ho:2, dj:dj + 2 * wo:2, :]
            for di in range(4) for dj in range(4)]
    p = jnp.stack(taps, axis=3)
    return p.reshape(b * ho * wo, 16 * c)


def _wconv(w):
    o, c = w.shape[0], w.shape[1]
    return jnp.transpose(w, (2, 3, 1, 0)).reshape(16 * c, o)


def _parity_patches(x):
    b, h, w, c = x.shape
    xp = jnp.pad(x, ((0, 0), (1, 1), (1, 1), (0, 0)))
    out = []
    for a in range(2):
        for bb in range(2):
            taps = [xp[:, a + du:a + du + h, bb + dv:bb + dv + w, :]
                    for du in range(2) for dv in range(2)]
            p = jnp.stack(taps, axis=3)
            out.append(p.reshape(b * h * w, 4 * c))
    return jnp.stack(out, axis=0)


def _wconvt(w):
    o, c = w.shape[0], w.shape[1]
    w6 = w.reshape(o, c, 2, 2, 2, 2)
    w6 = jnp.transpose(w6, (3, 5, 2, 4, 1, 0))
    return w6.reshape(4, 4 * c, o)


def _interleave(yp, b, h, w, n):
    y = yp.reshape(2, 2, b, h, w, n)
    y = jnp.transpose(y, (2, 3, 0, 4, 1, 5))
    return y.reshape(b, 2 * h, 2 * w, n)


def _vq_body(l_ref, et_ref, eh_ref, idx_ref, *, prec):
    l = l_ref[...]
    dots = jnp.dot(l, et_ref[...], preferred_element_type=jnp.float32,
                   precision=prec)
    lsq = jnp.sum(l * l, axis=1, keepdims=True)
    d2 = lsq - 2.0 * dots + eh_ref[...]
    idx_ref[...] = jnp.argmin(d2, axis=1, keepdims=True).astype(jnp.int32)


def _vq_argmin(lat2d, et, eh, prec=_VQ_PREC):
    m, c = lat2d.shape
    k = et.shape[1]
    tm = _pick_tm(m)
    return pl.pallas_call(
        functools.partial(_vq_body, prec=prec),
        grid=(m // tm,),
        in_specs=[
            pl.BlockSpec((tm, c), lambda i: (i, 0)),
            pl.BlockSpec((c, k), lambda i: (0, 0)),
            pl.BlockSpec((1, k), lambda i: (0, 0)),
        ],
        out_specs=pl.BlockSpec((tm, 1), lambda i: (i, 0)),
        out_shape=jax.ShapeDtypeStruct((m, 1), jnp.int32),
    )(lat2d, et, eh)


_SC_WINDOW = 128


def _sc_gather(emb, idx2d):
    m = idx2d.shape[1]
    c = emb.shape[1]
    mesh = plsc.VectorSubcoreMesh(core_axis_name="core",
                                  subcore_axis_name="subcore")

    @pl.kernel(out_type=jax.ShapeDtypeStruct((m, c), emb.dtype), mesh=mesh)
    def k(x_hbm, i_hbm, o_hbm):
        def body(i_vmem, o_vmem):
            pltpu.sync_copy(x_hbm.at[i_vmem.at[0]], o_vmem)

        pltpu.emit_pipeline(
            body,
            grid=(m // _SC_WINDOW,),
            in_specs=[pl.BlockSpec((1, _SC_WINDOW), index_map=lambda i: (0, i))],
            out_specs=[pl.BlockSpec((_SC_WINDOW, c), index_map=lambda i: (i, 0))],
            core_axis_name="subcore",
            dimension_semantics=(pltpu.PARALLEL,),
        )(i_hbm, o_hbm)

    return k(emb, idx2d)


def _sqsum_body(a_ref, b_ref, o_ref):
    @pl.when(pl.program_id(0) == 0)
    def _():
        o_ref[...] = jnp.zeros_like(o_ref)

    d = a_ref[...] - b_ref[...]
    o_ref[...] += jnp.sum(d * d, axis=(0, 1), keepdims=True)


def _sqsum(a, b):
    m, n = a.shape
    tm = _pick_tm(m)
    return pl.pallas_call(
        _sqsum_body,
        grid=(m // tm,),
        in_specs=[
            pl.BlockSpec((tm, n), lambda i: (i, 0)),
            pl.BlockSpec((tm, n), lambda i: (i, 0)),
        ],
        out_specs=pl.BlockSpec((1, 1), lambda i: (0, 0)),
        out_shape=jax.ShapeDtypeStruct((1, 1), jnp.float32),
    )(a, b)


def kernel(input, target, embeddings, w_e0, b_e0, w_e1, b_e1, w_e2, b_e2,
           w_d0, b_d0, w_d1, b_d1, w_d2, b_d2):
    B = input.shape[0]

    x = jnp.transpose(input, (0, 2, 3, 1))
    h = _gemm(_im2col_s2(x), _wconv(w_e0), b_e0[None, :], relu=True)
    h = h.reshape(B, 112, 112, 192)
    h = _gemm_taps(_im2col_s2(h), _wconv(w_e1), b_e1[None, :], 768, relu=True)
    h = h.reshape(B, 56, 56, 192)
    z = _gemm_taps(_im2col_s2(h), _wconv(w_e2), b_e2[None, :], 768, relu=False)
    lat2d = z

    et = jnp.transpose(embeddings, (1, 0))
    eh = jnp.sum(embeddings * embeddings, axis=1)[None, :]
    idx = _vq_argmin(lat2d, et, eh)
    quant = _sc_gather(embeddings, jnp.transpose(idx, (1, 0)))

    vq_sum = _sqsum(lat2d, quant)
    vq_loss = vq_sum[0, 0] / jnp.float32(lat2d.size)

    q = quant.reshape(B, 28, 28, 256)
    yp = _gemm4(_parity_patches(q), _wconvt(w_d0),
                b_d0[None, :], relu=True)
    h = _interleave(yp, B, 28, 28, 192)
    yp = _gemm4(_parity_patches(h), _wconvt(w_d1),
                b_d1[None, :], relu=True)
    h = _interleave(yp, B, 56, 56, 192)

    wd2 = jnp.transpose(w_d2, (1, 2, 3, 0)).reshape(192, 48)
    cols = _gemm(h.reshape(B * 112 * 112, 192), wd2,
                 jnp.zeros((1, 48), jnp.float32), relu=False)
    cols = cols.reshape(B, 112, 112, 4, 4, 3)
    ypad = jnp.broadcast_to(b_d2[None, None, None, :], (B, 226, 226, 3))
    for di in range(4):
        for dj in range(4):
            ypad = ypad.at[:, 3 - di:3 - di + 224:2,
                           3 - dj:3 - dj + 224:2, :].add(cols[:, :, :, di, dj, :])
    sample_cl = ypad[:, 1:225, 1:225, :]
    sample = jnp.transpose(sample_cl, (0, 3, 1, 2))

    rec_sum = _sqsum(sample.reshape(B * 3 * 224, 224),
                     target.reshape(B * 3 * 224, 224))
    rec_loss = rec_sum[0, 0] / jnp.float32(sample.size)

    loss = rec_loss + 0.1 * vq_loss
    return (sample, rec_loss, vq_loss, loss)

# --- scband reference (transcript-rebuilt; emitter-appended) ---
"""Pipeline reference for scband-vector-quantized-variational-auto-encoder-4398046511635 (READ-ONLY COPY).

The authoritative reference and input builder live on the scoring server;
editing this copy changes nothing except your own understanding.
"""

import jax, jax.numpy as jnp
import numpy as np

DN = ('NCHW', 'OIHW', 'NCHW')

def _conv(x, w, b):
    y = jax.lax.conv_general_dilated(x, w, (2, 2), 'SAME', dimension_numbers=DN)
    return y + b[None, :, None, None]

def _convT(x, w, b):
    y = jax.lax.conv_transpose(x, w, (2, 2), 'SAME', dimension_numbers=DN)
    return y + b[None, :, None, None]

def setup_inputs(seed: int = 0):
    key = jax.random.key(seed)
    ks = [jax.random.fold_in(key, i) for i in range(16)]
    B, Cin, HW = 8, 3, 224
    base, lat, K = 192, 256, 1024
    s = 0.05
    inp = {}
    inp['input'] = jax.random.normal(ks[0], (B, Cin, HW, HW), dtype=jnp.float32)
    inp['target'] = jax.random.normal(ks[1], (B, Cin, HW, HW), dtype=jnp.float32)
    inp['embeddings'] = jax.random.normal(ks[2], (K, lat), dtype=jnp.float32) * s
    inp['w_e0'] = jax.random.normal(ks[3], (base, Cin, 4, 4), dtype=jnp.float32) * s
    inp['b_e0'] = jnp.zeros((base,), dtype=jnp.float32)
    inp['w_e1'] = jax.random.normal(ks[4], (base, base, 4, 4), dtype=jnp.float32) * s
    inp['b_e1'] = jnp.zeros((base,), dtype=jnp.float32)
    inp['w_e2'] = jax.random.normal(ks[5], (lat, base, 4, 4), dtype=jnp.float32) * s
    inp['b_e2'] = jnp.zeros((lat,), dtype=jnp.float32)
    inp['w_d0'] = jax.random.normal(ks[6], (base, lat, 4, 4), dtype=jnp.float32) * s
    inp['b_d0'] = jnp.zeros((base,), dtype=jnp.float32)
    inp['w_d1'] = jax.random.normal(ks[7], (base, base, 4, 4), dtype=jnp.float32) * s
    inp['b_d1'] = jnp.zeros((base,), dtype=jnp.float32)
    inp['w_d2'] = jax.random.normal(ks[8], (Cin, base, 4, 4), dtype=jnp.float32) * s
    inp['b_d2'] = jnp.zeros((Cin,), dtype=jnp.float32)
    return inp

def reference(input, target, embeddings, w_e0, b_e0, w_e1, b_e1, w_e2, b_e2, w_d0, b_d0, w_d1, b_d1, w_d2, b_d2):
    # Encoder: num_layers=3 stride-2 convs
    h = jax.nn.relu(_conv(input, w_e0, b_e0))
    h = jax.nn.relu(_conv(h, w_e1, b_e1))
    z = _conv(h, w_e2, b_e2)
    B, C, H, W = z.shape
    # VectorQuantization: flatten(2).transpose(-1,-2)
    lat = z.reshape(B, C, H * W).transpose(0, 2, 1)
    # cdist + argmin under no_grad (argmin of squared dist == argmin of dist)
    l_sg = jax.lax.stop_gradient(lat)
    e_sg = jax.lax.stop_gradient(embeddings)
    d2 = jnp.sum(l_sg ** 2, -1, keepdims=True) - 2.0 * jnp.einsum('bnc,kc->bnk', l_sg, e_sg) + jnp.sum(e_sg ** 2, -1)
    idx = jnp.argmin(d2, axis=-1)
    mapping = jax.nn.one_hot(idx, embeddings.shape[0], dtype=lat.dtype)
    # quantized latents (differentiable w.r.t. embeddings)
    quant = jnp.einsum('bnk,kc->bnc', mapping, embeddings)
    vq_loss = jnp.mean((lat - quant) ** 2)
    # straight-through estimator
    q = lat + jax.lax.stop_gradient(quant - lat)
    qe = q.transpose(0, 2, 1).reshape(B, C, H, W)
    # Decoder: mirrored transposed convs
    h = jax.nn.relu(_convT(qe, w_d0, b_d0))
    h = jax.nn.relu(_convT(h, w_d1, b_d1))
    sample = _convT(h, w_d2, b_d2)
    rec_loss = jnp.mean((sample - target) ** 2)
    loss = rec_loss + 0.1 * vq_loss
    return (sample, rec_loss, vq_loss, loss)

if __name__ == "__main__":
    import jax
    _d = setup_inputs()
    print(jax.jit(kernel)(*tuple(_d.values())))

</pallas_src>

<mosaic_0001>
#map = affine_map<(d0, d1) -> (0, 0)>
module attributes {stable_mosaic.version = 14 : i64} {
  func.func @k(%arg0: i32, %arg1: i32, %arg2: memref<1024x256xf32, #tpu.memory_space<hbm>>, %arg3: memref<1x6272xi32, #tpu.memory_space<hbm>>, %arg4: memref<6272x256xf32, #tpu.memory_space<hbm>>) attributes {dimension_semantics = [#tpu.dimension_semantics<core_parallel>, #tpu.dimension_semantics<subcore_parallel>], iteration_bounds = array<i64: 2, 16>, scalar_prefetch = 0 : i64, scratch_operands = 0 : i64, tpu.core_type = #tpu.core_type<sc_vector_subcore>, window_params = [{transform_indices = #map}, {transform_indices = #map}, {transform_indices = #map}]} {
    %lt3A = arith.constant 1 : i32
    %lt3A_0 = arith.cmpi slt, %arg1, %lt3A : i32
    %jit3A = arith.constant 4 : i32
    %jit3A_1 = arith.constant 3 : i32
    %select_n3A = arith.select %lt3A_0, %jit3A, %jit3A_1 : i32
    %lt3A_2 = arith.constant 1 : i32
    %lt3A_3 = arith.cmpi slt, %arg1, %lt3A_2 : i32
    %mul3A = arith.muli %arg1, %select_n3A : i32
    %mul3A_4 = arith.constant 3 : i32
    %mul3A_5 = arith.muli %arg1, %mul3A_4 : i32
    %add3A = arith.constant 1 : i32
    %add3A_6 = arith.addi %mul3A_5, %add3A : i32
    %select_n3A_7 = arith.select %lt3A_3, %mul3A, %add3A_6 : i32
    %mul3A_8 = arith.constant 1 : i32
    %mul3A_9 = arith.muli %mul3A_8, %select_n3A : i32
    "tpu.region"() ({
      %run_scoped3A = memref.alloca() : memref<2x1x128xi32, #tpu.memory_space<vmem>>
      %run_scoped3A_10 = tpu.sem_alloc : memref<2x!tpu.dma_semaphore, #tpu.memory_space<semaphore_mem>>
      %run_scoped3A_11 = memref.alloca() : memref<2x128x256xf32, #tpu.memory_space<vmem>>
      %run_scoped3A_12 = tpu.sem_alloc : memref<2x!tpu.dma_semaphore, #tpu.memory_space<semaphore_mem>>
      %gt3A = arith.constant 0 : i32
      %gt3A_13 = arith.cmpi sgt, %mul3A_9, %gt3A : i32
      %convert_element_type3A = arith.extui %gt3A_13 : i1 to i32
      %cond3A = arith.constant 0 : i32
      %cond3A_14 = arith.cmpi ne, %convert_element_type3A, %cond3A : i32
      scf.if %cond3A_14 {
        %mul3A_15 = arith.constant 1 : i32
        %mul3A_16 = arith.muli %mul3A_15, %select_n3A : i32
        %sub3A = arith.constant 1 : i32
        %sub3A_17 = arith.subi %mul3A_16, %sub3A : i32
        %eq3A = arith.constant 0 : i32
        %eq3A_18 = arith.cmpi eq, %sub3A_17, %eq3A : i32
        %add3A_19 = arith.constant 0 : i32
        %add3A_20 = arith.addi %add3A_19, %select_n3A_7 : i32
        %select_n3A_21 = arith.constant true
        %select_n3A_22 = arith.constant 0 : i32
        %select_n3A_23 = arith.constant -1 : i32
        %select_n3A_24 = arith.select %select_n3A_21, %select_n3A_23, %select_n3A_22 : i32
        %eq3A_25 = arith.constant -1 : i32
        %eq3A_26 = arith.cmpi eq, %select_n3A_24, %eq3A_25 : i32
        %sub3A_27 = arith.constant 1 : i32
        %sub3A_28 = arith.subi %select_n3A, %sub3A_27 : i32
        %select_n3A_29 = arith.select %eq3A_26, %sub3A_28, %select_n3A_24 : i32
        %add3A_30 = arith.addi %select_n3A_29, %select_n3A_7 : i32
        %select_n3A_31 = arith.constant true
        %select_n3A_32 = arith.constant 0 : i32
        %select_n3A_33 = arith.constant 1 : i32
        %select_n3A_34 = arith.select %select_n3A_31, %select_n3A_33, %select_n3A_32 : i32
        %eq3A_35 = arith.cmpi eq, %select_n3A_34, %select_n3A : i32
        %select_n3A_36 = arith.constant 0 : i32
        %select_n3A_37 = arith.select %eq3A_35, %select_n3A_36, %select_n3A_34 : i32
        %add3A_38 = arith.addi %select_n3A_37, %select_n3A_7 : i32
        %add3A_39 = arith.constant 1 : i32
        %add3A_40 = arith.addi %select_n3A_37, %add3A_39 : i32
        %select_n3A_41 = arith.constant true
        %select_n3A_42 = arith.select %select_n3A_41, %add3A_40, %select_n3A_37 : i32
        %eq3A_43 = arith.cmpi eq, %select_n3A_42, %select_n3A : i32
        %select_n3A_44 = arith.constant 0 : i32
        %select_n3A_45 = arith.select %eq3A_43, %select_n3A_44, %select_n3A_42 : i32
        %add3A_46 = arith.addi %select_n3A_45, %select_n3A_7 : i32
        "tpu.trace_start"() <{level = 10 : i32, message = "ep_initialize_0"}> : () -> ()
        %rem3A = arith.constant 0 : i32
        %rem3A_47 = arith.constant 2 : i32
        %rem3A_48 = arith.remui %rem3A, %rem3A_47 : i32
        %mul3A_49 = arith.constant 128 : i32
        %mul3A_50 = arith.muli %mul3A_49, %add3A_20 : i32
        %dma_start3A = arith.constant 0 : i32
        %dma_start3A_51 = arith.constant 0 : i32
        %dma_start3A_52 = tpu.memref_slice %run_scoped3A[%rem3A_48, %dma_start3A, %dma_start3A_51] : memref<2x1x128xi32, #tpu.memory_space<vmem>> -> memref<1x1x128xi32, #tpu.memory_space<vmem>>
        %dma_start3A_53 = tpu.memref_squeeze %dma_start3A_52 : memref<1x1x128xi32, #tpu.memory_space<vmem>> -> memref<1x128xi32, #tpu.memory_space<vmem>>
        %dma_start3A_54 = arith.constant 0 : i32
        %dma_start3A_55 = tpu.memref_slice %arg3[%dma_start3A_54, %mul3A_50] : memref<1x6272xi32, #tpu.memory_space<hbm>> -> memref<1x128xi32, #tpu.memory_space<hbm>>
        %dma_start3A_56 = tpu.memref_slice %run_scoped3A_10[%rem3A_48] : memref<2x!tpu.dma_semaphore, #tpu.memory_space<semaphore_mem>> -> memref<1x!tpu.dma_semaphore, #tpu.memory_space<semaphore_mem>>
        %dma_start3A_57 = tpu.memref_squeeze %dma_start3A_56 : memref<1x!tpu.dma_semaphore, #tpu.memory_space<semaphore_mem>> -> memref<!tpu.dma_semaphore, #tpu.memory_space<semaphore_mem>>
        %dma_start3A_58 = arith.constant 0 : i32
        %dma_start3A_59 = arith.constant 0 : i32
        %dma_start3A_60 = tpu.memref_slice %run_scoped3A[%rem3A_48, %dma_start3A_58, %dma_start3A_59] : memref<2x1x128xi32, #tpu.memory_space<vmem>> -> memref<1x1x128xi32, #tpu.memory_space<vmem>>
        %dma_start3A_61 = tpu.memref_squeeze %dma_start3A_60 : memref<1x1x128xi32, #tpu.memory_space<vmem>> -> memref<1x128xi32, #tpu.memory_space<vmem>>
        %dma_start3A_62 = arith.constant 0 : i32
        %dma_start3A_63 = tpu.memref_slice %arg3[%dma_start3A_62, %mul3A_50] : memref<1x6272xi32, #tpu.memory_space<hbm>> -> memref<1x128xi32, #tpu.memory_space<hbm>>
        tpu.enqueue_dma source(%dma_start3A_63 : memref<1x128xi32, #tpu.memory_space<hbm>>) target(%dma_start3A_61 : memref<1x128xi32, #tpu.memory_space<vmem>>) target_semaphore(%dma_start3A_57 : memref<!tpu.dma_semaphore, #tpu.memory_space<semaphore_mem>>)
        %add3A_64 = arith.constant 0 : i32
        %add3A_65 = arith.constant 1 : i32
        %add3A_66 = arith.addi %add3A_64, %add3A_65 : i32
        %select_n3A_67 = arith.constant true
        %select_n3A_68 = arith.constant 0 : i32
        %select_n3A_69 = arith.select %select_n3A_67, %add3A_66, %select_n3A_68 : i32
        %while3A = arith.constant 0 : i32
        %while3A_70 = arith.constant 0 : i32
        %while3A_71 = arith.constant 0 : i32
        %while3A_72 = arith.constant 0 : i32
        %while3A_73 = arith.constant 0 : i32
        "tpu.trace_stop"() : () -> ()
        %while3A_74 = arith.subi %mul3A_9, %while3A : i32
        %while3A_75 = arith.addi %while3A, %while3A_74 : i32
        %while3A_76 = arith.constant 1 : i32
        %while3A_77 = arith.divsi %while3A_74, %while3A_76 : i32
        %while3A_78 = arith.muli %while3A_77, %while3A_76 : i32
        %while3A_79 = arith.addi %while3A, %while3A_78 : i32
        %while3A_80 = arith.constant 1 : i32
        %while3A_81:5 = scf.for %while3A_135 = %while3A to %while3A_79 step %while3A_80 iter_args(%while3A_136 = %select_n3A_69, %while3A_137 = %while3A_70, %while3A_138 = %while3A_71, %while3A_139 = %while3A_72, %while3A_140 = %while3A_73) -> (i32, i32, i32, i32, i32)  : i32 {
          %mul3A_141 = arith.constant 1 : i32
          %mul3A_142 = arith.muli %mul3A_141, %select_n3A : i32
          %eq3A_143 = arith.constant 0 : i32
          %eq3A_144 = arith.cmpi eq, %while3A_135, %eq3A_143 : i32
          %sub3A_145 = arith.constant 1 : i32
          %sub3A_146 = arith.subi %mul3A_142, %sub3A_145 : i32
          %eq3A_147 = arith.cmpi eq, %while3A_135, %sub3A_146 : i32
          %add3A_148 = arith.addi %while3A_140, %select_n3A_7 : i32
          %sub3A_149 = arith.constant 1 : i32
          %sub3A_150 = arith.subi %while3A_140, %sub3A_149 : i32
          %select_n3A_151 = arith.constant true
          %select_n3A_152 = arith.select %select_n3A_151, %sub3A_150, %while3A_140 : i32
          %eq3A_153 = arith.constant -1 : i32
          %eq3A_154 = arith.cmpi eq, %select_n3A_152, %eq3A_153 : i32
          %sub3A_155 = arith.constant 1 : i32
          %sub3A_156 = arith.subi %select_n3A, %sub3A_155 : i32
          %select_n3A_157 = arith.select %eq3A_154, %sub3A_156, %select_n3A_152 : i32
          %add3A_158 = arith.addi %select_n3A_157, %select_n3A_7 : i32
          %add3A_159 = arith.constant 1 : i32
          %add3A_160 = arith.addi %while3A_140, %add3A_159 : i32
          %select_n3A_161 = arith.constant true
          %select_n3A_162 = arith.select %select_n3A_161, %add3A_160, %while3A_140 : i32
          %eq3A_163 = arith.cmpi eq, %select_n3A_162, %select_n3A : i32
          %select_n3A_164 = arith.constant 0 : i32
          %select_n3A_165 = arith.select %eq3A_163, %select_n3A_164, %select_n3A_162 : i32
          %add3A_166 = arith.addi %select_n3A_165, %select_n3A_7 : i32
          %add3A_167 = arith.constant 1 : i32
          %add3A_168 = arith.addi %select_n3A_165, %add3A_167 : i32
          %select_n3A_169 = arith.constant true
          %select_n3A_170 = arith.select %select_n3A_169, %add3A_168, %select_n3A_165 : i32
          %eq3A_171 = arith.cmpi eq, %select_n3A_170, %select_n3A : i32
          %select_n3A_172 = arith.constant 0 : i32
          %select_n3A_173 = arith.select %eq3A_171, %select_n3A_172, %select_n3A_170 : i32
          %add3A_174 = arith.addi %select_n3A_173, %select_n3A_7 : i32
          %ne3A = arith.cmpi ne, %add3A_148, %add3A_166 : i32
          %or3A = arith.constant false
          %or3A_175 = arith.ori %or3A, %ne3A : i1
          %sub3A_176 = arith.constant 2 : i32
          %sub3A_177 = arith.subi %mul3A_142, %sub3A_176 : i32
          %add3A_178 = arith.constant 1 : i32
          %add3A_179 = arith.addi %sub3A_177, %add3A_178 : i32
          %ge3A = arith.cmpi sge, %while3A_135, %add3A_179 : i32
          %not3A = arith.constant true
          %not3A_180 = arith.xori %ge3A, %not3A : i1
          %and3A = arith.andi %or3A_175, %not3A_180 : i1
          %convert_element_type3A_181 = arith.extui %and3A : i1 to i32
          %cond3A_182 = arith.constant 0 : i32
          %cond3A_183 = arith.cmpi ne, %convert_element_type3A_181, %cond3A_182 : i32
          scf.if %cond3A_183 {
            "tpu.trace_start"() <{level = 10 : i32, message = "ep_copy_in"}> : () -> ()
            %rem3A_287 = arith.constant 2 : i32
            %rem3A_288 = arith.remui %while3A_136, %rem3A_287 : i32
            %mul3A_289 = arith.constant 128 : i32
            %mul3A_290 = arith.muli %mul3A_289, %add3A_166 : i32
            %dma_start3A_291 = arith.constant 0 : i32
            %dma_start3A_292 = arith.constant 0 : i32
            %dma_start3A_293 = tpu.memref_slice %run_scoped3A[%rem3A_288, %dma_start3A_291, %dma_start3A_292] : memref<2x1x128xi32, #tpu.memory_space<vmem>> -> memref<1x1x128xi32, #tpu.memory_space<vmem>>
            %dma_start3A_294 = tpu.memref_squeeze %dma_start3A_293 : memref<1x1x128xi32, #tpu.memory_space<vmem>> -> memref<1x128xi32, #tpu.memory_space<vmem>>
            %dma_start3A_295 = arith.constant 0 : i32
            %dma_start3A_296 = tpu.memref_slice %arg3[%dma_start3A_295, %mul3A_290] : memref<1x6272xi32, #tpu.memory_space<hbm>> -> memref<1x128xi32, #tpu.memory_space<hbm>>
            %dma_start3A_297 = tpu.memref_slice %run_scoped3A_10[%rem3A_288] : memref<2x!tpu.dma_semaphore, #tpu.memory_space<semaphore_mem>> -> memref<1x!tpu.dma_semaphore, #tpu.memory_space<semaphore_mem>>
            %dma_start3A_298 = tpu.memref_squeeze %dma_start3A_297 : memref<1x!tpu.dma_semaphore, #tpu.memory_space<semaphore_mem>> -> memref<!tpu.dma_semaphore, #tpu.memory_space<semaphore_mem>>
            %dma_start3A_299 = arith.constant 0 : i32
            %dma_start3A_300 = arith.constant 0 : i32
            %dma_start3A_301 = tpu.memref_slice %run_scoped3A[%rem3A_288, %dma_start3A_299, %dma_start3A_300] : memref<2x1x128xi32, #tpu.memory_space<vmem>> -> memref<1x1x128xi32, #tpu.memory_space<vmem>>
            %dma_start3A_302 = tpu.memref_squeeze %dma_start3A_301 : memref<1x1x128xi32, #tpu.memory_space<vmem>> -> memref<1x128xi32, #tpu.memory_space<vmem>>
            %dma_start3A_303 = arith.constant 0 : i32
            %dma_start3A_304 = tpu.memref_slice %arg3[%dma_start3A_303, %mul3A_290] : memref<1x6272xi32, #tpu.memory_space<hbm>> -> memref<1x128xi32, #tpu.memory_space<hbm>>
            tpu.enqueue_dma source(%dma_start3A_304 : memref<1x128xi32, #tpu.memory_space<hbm>>) target(%dma_start3A_302 : memref<1x128xi32, #tpu.memory_space<vmem>>) target_semaphore(%dma_start3A_298 : memref<!tpu.dma_semaphore, #tpu.memory_space<semaphore_mem>>)
            "tpu.trace_stop"() : () -> ()
          } else {
          }
          %and3A_184 = arith.constant true
          %and3A_185 = arith.andi %and3A, %and3A_184 : i1
          %add3A_186 = arith.constant 1 : i32
          %add3A_187 = arith.addi %while3A_136, %add3A_186 : i32
          %select_n3A_188 = arith.select %and3A_185, %add3A_187, %while3A_136 : i32
          %ne3A_189 = arith.cmpi ne, %add3A_148, %add3A_166 : i32
          %or3A_190 = arith.constant false
          %or3A_191 = arith.ori %or3A_190, %ne3A_189 : i1
          %or3A_192 = arith.constant false
          %or3A_193 = arith.ori %or3A_191, %or3A_192 : i1
          %sub3A_194 = arith.constant 2 : i32
          %sub3A_195 = arith.subi %mul3A_142, %sub3A_194 : i32
          %add3A_196 = arith.constant 1 : i32
          %add3A_197 = arith.addi %sub3A_195, %add3A_196 : i32
          %ge3A_198 = arith.cmpi sge, %while3A_135, %add3A_197 : i32
          %not3A_199 = arith.constant true
          %not3A_200 = arith.xori %ge3A_198, %not3A_199 : i1
          %and3A_201 = arith.andi %or3A_193, %not3A_200 : i1
          %ne3A_202 = arith.cmpi ne, %add3A_148, %add3A_158 : i32
          %or3A_203 = arith.constant false
          %or3A_204 = arith.ori %or3A_203, %ne3A_202 : i1
          %or3A_205 = arith.ori %or3A_204, %eq3A_144 : i1
          %convert_element_type3A_206 = arith.extui %or3A_205 : i1 to i32
          %cond3A_207 = arith.constant 0 : i32
          %cond3A_208 = arith.cmpi ne, %convert_element_type3A_206, %cond3A_207 : i32
          scf.if %cond3A_208 {
            "tpu.trace_start"() <{level = 10 : i32, message = "ep_wait_in"}> : () -> ()
            %mul3A_287 = arith.constant 128 : i32
            %mul3A_288 = arith.muli %mul3A_287, %add3A_148 : i32
            %rem3A_289 = arith.constant 2 : i32
            %rem3A_290 = arith.remui %while3A_137, %rem3A_289 : i32
            %dma_wait3A = arith.constant 0 : i32
            %dma_wait3A_291 = arith.constant 0 : i32
            %dma_wait3A_292 = tpu.memref_slice %run_scoped3A[%rem3A_290, %dma_wait3A, %dma_wait3A_291] : memref<2x1x128xi32, #tpu.memory_space<vmem>> -> memref<1x1x128xi32, #tpu.memory_space<vmem>>
            %dma_wait3A_293 = tpu.memref_squeeze %dma_wait3A_292 : memref<1x1x128xi32, #tpu.memory_space<vmem>> -> memref<1x128xi32, #tpu.memory_space<vmem>>
            %dma_wait3A_294 = arith.constant 0 : i32
            %dma_wait3A_295 = tpu.memref_slice %arg3[%dma_wait3A_294, %mul3A_288] : memref<1x6272xi32, #tpu.memory_space<hbm>> -> memref<1x128xi32, #tpu.memory_space<hbm>>
            %dma_wait3A_296 = tpu.memref_slice %run_scoped3A_10[%rem3A_290] : memref<2x!tpu.dma_semaphore, #tpu.memory_space<semaphore_mem>> -> memref<1x!tpu.dma_semaphore, #tpu.memory_space<semaphore_mem>>
            %dma_wait3A_297 = tpu.memref_squeeze %dma_wait3A_296 : memref<1x!tpu.dma_semaphore, #tpu.memory_space<semaphore_mem>> -> memref<!tpu.dma_semaphore, #tpu.memory_space<semaphore_mem>>
            %dma_wait3A_298 = arith.constant 0 : i32
            %dma_wait3A_299 = arith.constant 0 : i32
            %dma_wait3A_300 = tpu.memref_slice %run_scoped3A[%rem3A_290, %dma_wait3A_298, %dma_wait3A_299] : memref<2x1x128xi32, #tpu.memory_space<vmem>> -> memref<1x1x128xi32, #tpu.memory_space<vmem>>
            %dma_wait3A_301 = tpu.memref_squeeze %dma_wait3A_300 : memref<1x1x128xi32, #tpu.memory_space<vmem>> -> memref<1x128xi32, #tpu.memory_space<vmem>>
            %dma_wait3A_302 = arith.constant 0 : i32
            %dma_wait3A_303 = tpu.memref_slice %arg3[%dma_wait3A_302, %mul3A_288] : memref<1x6272xi32, #tpu.memory_space<hbm>> -> memref<1x128xi32, #tpu.memory_space<hbm>>
            tpu.wait_dma2 semaphore(%dma_wait3A_297 : memref<!tpu.dma_semaphore, #tpu.memory_space<semaphore_mem>>) src(%dma_wait3A_303 : memref<1x128xi32, #tpu.memory_space<hbm>>) dst(%dma_wait3A_301 : memref<1x128xi32, #tpu.memory_space<vmem>>)
            "tpu.trace_stop"() : () -> ()
          } else {
          }
          %ne3A_209 = arith.cmpi ne, %add3A_148, %add3A_158 : i32
          %or3A_210 = arith.constant false
          %or3A_211 = arith.ori %or3A_210, %ne3A_209 : i1
          %or3A_212 = arith.constant false
          %or3A_213 = arith.ori %or3A_211, %or3A_212 : i1
          %or3A_214 = arith.ori %or3A_213, %eq3A_144 : i1
          %convert_element_type3A_215 = arith.extui %or3A_214 : i1 to i32
          %cond3A_216 = arith.constant 0 : i32
          %cond3A_217 = arith.cmpi ne, %convert_element_type3A_215, %cond3A_216 : i32
          scf.if %cond3A_217 {
          } else {
          }
          %rem3A_218 = arith.constant 2 : i32
          %rem3A_219 = arith.remui %while3A_137, %rem3A_218 : i32
          %rem3A_220 = arith.constant 2 : i32
          %rem3A_221 = arith.remui %while3A_138, %rem3A_220 : i32
          %run_scoped3A_222 = arith.constant 0 : i32
          "tpu.trace_start"() <{level = 10 : i32, message = "ep_run_kernel"}> : () -> ()
          "tpu.region"() ({
            %run_scoped3A_287 = tpu.sem_alloc : memref<!tpu.dma_semaphore, #tpu.memory_space<semaphore_mem>>
            %dma_start3A_288 = arith.constant 0 : i32
            %dma_start3A_289 = arith.constant 0 : i32
            %dma_start3A_290 = tpu.memref_slice %run_scoped3A_11[%rem3A_221, %dma_start3A_288, %dma_start3A_289] : memref<2x128x256xf32, #tpu.memory_space<vmem>> -> memref<1x128x256xf32, #tpu.memory_space<vmem>>
            %dma_start3A_291 = tpu.memref_squeeze %dma_start3A_290 : memref<1x128x256xf32, #tpu.memory_space<vmem>> -> memref<128x256xf32, #tpu.memory_space<vmem>>
            %dma_start3A_292 = arith.constant 0 : i32
            %dma_start3A_293 = arith.constant 0 : i32
            %dma_start3A_294 = tpu.memref_slice %run_scoped3A[%rem3A_219, %dma_start3A_292, %dma_start3A_293] : memref<2x1x128xi32, #tpu.memory_space<vmem>> -> memref<1x1x128xi32, #tpu.memory_space<vmem>>
            %dma_start3A_295 = tpu.memref_squeeze %dma_start3A_294 : memref<1x1x128xi32, #tpu.memory_space<vmem>> -> memref<1x128xi32, #tpu.memory_space<vmem>>
            %dma_start3A_296 = arith.constant 0 : i32
            %dma_start3A_297 = tpu.memref_slice %dma_start3A_295[%run_scoped3A_222, %dma_start3A_296] : memref<1x128xi32, #tpu.memory_space<vmem>> -> memref<1x128xi32, #tpu.memory_space<vmem>>
            %dma_start3A_298 = tpu.memref_squeeze %dma_start3A_297 : memref<1x128xi32, #tpu.memory_space<vmem>> -> memref<128xi32, #tpu.memory_space<vmem>>
            %dma_start3A_299 = arith.constant 0 : i32
            %dma_start3A_300 = arith.constant 0 : i32
            %dma_start3A_301 = tpu.memref_slice %arg2[%dma_start3A_299, %dma_start3A_300] : memref<1024x256xf32, #tpu.memory_space<hbm>> -> memref<1024x256xf32, #tpu.memory_space<hbm>>
            tpu.enqueue_indirect_dma source(%dma_start3A_301 : memref<1024x256xf32, #tpu.memory_space<hbm>>) target(%dma_start3A_291 : memref<128x256xf32, #tpu.memory_space<vmem>>) offsets(%dma_start3A_298 : memref<128xi32, #tpu.memory_space<vmem>>) semaphore(%run_scoped3A_287 : memref<!tpu.dma_semaphore, #tpu.memory_space<semaphore_mem>>)
            %dma_wait3A = arith.constant 0 : i32
            %dma_wait3A_302 = arith.constant 0 : i32
            %dma_wait3A_303 = tpu.memref_slice %run_scoped3A_11[%rem3A_221, %dma_wait3A, %dma_wait3A_302] : memref<2x128x256xf32, #tpu.memory_space<vmem>> -> memref<1x128x256xf32, #tpu.memory_space<vmem>>
            %dma_wait3A_304 = tpu.memref_squeeze %dma_wait3A_303 : memref<1x128x256xf32, #tpu.memory_space<vmem>> -> memref<128x256xf32, #tpu.memory_space<vmem>>
            %dma_wait3A_305 = arith.constant 0 : i32
            %dma_wait3A_306 = arith.constant 0 : i32
            %dma_wait3A_307 = tpu.memref_slice %run_scoped3A[%rem3A_219, %dma_wait3A_305, %dma_wait3A_306] : memref<2x1x128xi32, #tpu.memory_space<vmem>> -> memref<1x1x128xi32, #tpu.memory_space<vmem>>
            %dma_wait3A_308 = tpu.memref_squeeze %dma_wait3A_307 : memref<1x1x128xi32, #tpu.memory_space<vmem>> -> memref<1x128xi32, #tpu.memory_space<vmem>>
            %dma_wait3A_309 = arith.constant 0 : i32
            %dma_wait3A_310 = tpu.memref_slice %dma_wait3A_308[%run_scoped3A_222, %dma_wait3A_309] : memref<1x128xi32, #tpu.memory_space<vmem>> -> memref<1x128xi32, #tpu.memory_space<vmem>>
            %dma_wait3A_311 = tpu.memref_squeeze %dma_wait3A_310 : memref<1x128xi32, #tpu.memory_space<vmem>> -> memref<128xi32, #tpu.memory_space<vmem>>
            %dma_wait3A_312 = arith.constant 0 : i32
            %dma_wait3A_313 = arith.constant 0 : i32
            %dma_wait3A_314 = tpu.memref_slice %arg2[%dma_wait3A_312, %dma_wait3A_313] : memref<1024x256xf32, #tpu.memory_space<hbm>> -> memref<1024x256xf32, #tpu.memory_space<hbm>>
            tpu.wait_indirect_dma semaphore(%run_scoped3A_287 : memref<!tpu.dma_semaphore, #tpu.memory_space<semaphore_mem>>) src(%dma_wait3A_314 : memref<1024x256xf32, #tpu.memory_space<hbm>>) dst(%dma_wait3A_304 : memref<128x256xf32, #tpu.memory_space<vmem>>)
            tpu.yield
          }) : () -> ()
          "tpu.trace_stop"() : () -> ()
          %ne3A_223 = arith.cmpi ne, %add3A_148, %add3A_166 : i32
          %or3A_224 = arith.constant false
          %or3A_225 = arith.ori %or3A_224, %ne3A_223 : i1
          %or3A_226 = arith.ori %or3A_225, %eq3A_147 : i1
          %convert_element_type3A_227 = arith.extui %or3A_226 : i1 to i32
          %cond3A_228 = arith.constant 0 : i32
          %cond3A_229 = arith.cmpi ne, %convert_element_type3A_227, %cond3A_228 : i32
          scf.if %cond3A_229 {
          } else {
          }
          %and3A_230 = arith.constant false
          %and3A_231 = arith.andi %or3A_226, %and3A_230 : i1
          %ne3A_232 = arith.cmpi ne, %add3A_148, %add3A_166 : i32
          %or3A_233 = arith.constant false
          %or3A_234 = arith.ori %or3A_233, %ne3A_232 : i1
          %or3A_235 = arith.constant false
          %or3A_236 = arith.ori %or3A_234, %or3A_235 : i1
          %or3A_237 = arith.ori %or3A_236, %eq3A_147 : i1
          %convert_element_type3A_238 = arith.extui %or3A_237 : i1 to i32
          %cond3A_239 = arith.constant 0 : i32
          %cond3A_240 = arith.cmpi ne, %convert_element_type3A_238, %cond3A_239 : i32
          scf.if %cond3A_240 {
            "tpu.trace_start"() <{level = 10 : i32, message = "ep_copy_out"}> : () -> ()
            %rem3A_287 = arith.constant 2 : i32
            %rem3A_288 = arith.remui %while3A_138, %rem3A_287 : i32
            %mul3A_289 = arith.constant 128 : i32
            %mul3A_290 = arith.muli %mul3A_289, %add3A_148 : i32
            %dma_start3A_291 = arith.constant 0 : i32
            %dma_start3A_292 = arith.constant 0 : i32
            %dma_start3A_293 = tpu.memref_slice %run_scoped3A_11[%rem3A_288, %dma_start3A_291, %dma_start3A_292] : memref<2x128x256xf32, #tpu.memory_space<vmem>> -> memref<1x128x256xf32, #tpu.memory_space<vmem>>
            %dma_start3A_294 = tpu.memref_squeeze %dma_start3A_293 : memref<1x128x256xf32, #tpu.memory_space<vmem>> -> memref<128x256xf32, #tpu.memory_space<vmem>>
            %dma_start3A_295 = arith.constant 0 : i32
            %dma_start3A_296 = tpu.memref_slice %arg4[%mul3A_290, %dma_start3A_295] : memref<6272x256xf32, #tpu.memory_space<hbm>> -> memref<128x256xf32, #tpu.memory_space<hbm>>
            %dma_start3A_297 = tpu.memref_slice %run_scoped3A_12[%rem3A_288] : memref<2x!tpu.dma_semaphore, #tpu.memory_space<semaphore_mem>> -> memref<1x!tpu.dma_semaphore, #tpu.memory_space<semaphore_mem>>
            %dma_start3A_298 = tpu.memref_squeeze %dma_start3A_297 : memref<1x!tpu.dma_semaphore, #tpu.memory_space<semaphore_mem>> -> memref<!tpu.dma_semaphore, #tpu.memory_space<semaphore_mem>>
            %dma_start3A_299 = arith.constant 0 : i32
            %dma_start3A_300 = tpu.memref_slice %arg4[%mul3A_290, %dma_start3A_299] : memref<6272x256xf32, #tpu.memory_space<hbm>> -> memref<128x256xf32, #tpu.memory_space<hbm>>
            %dma_start3A_301 = arith.constant 0 : i32
            %dma_start3A_302 = arith.constant 0 : i32
            %dma_start3A_303 = tpu.memref_slice %run_scoped3A_11[%rem3A_288, %dma_start3A_301, %dma_start3A_302] : memref<2x128x256xf32, #tpu.memory_space<vmem>> -> memref<1x128x256xf32, #tpu.memory_space<vmem>>
            %dma_start3A_304 = tpu.memref_squeeze %dma_start3A_303 : memref<1x128x256xf32, #tpu.memory_space<vmem>> -> memref<128x256xf32, #tpu.memory_space<vmem>>
            tpu.enqueue_dma source(%dma_start3A_304 : memref<128x256xf32, #tpu.memory_space<vmem>>) target(%dma_start3A_300 : memref<128x256xf32, #tpu.memory_space<hbm>>) target_semaphore(%dma_start3A_298 : memref<!tpu.dma_semaphore, #tpu.memory_space<semaphore_mem>>)
            "tpu.trace_stop"() : () -> ()
          } else {
          }
          %and3A_241 = arith.constant true
          %and3A_242 = arith.andi %or3A_237, %and3A_241 : i1
          %add3A_243 = arith.constant 1 : i32
          %add3A_244 = arith.addi %while3A_138, %add3A_243 : i32
          %select_n3A_245 = arith.select %and3A_242, %add3A_244, %while3A_138 : i32
          %ne3A_246 = arith.cmpi ne, %add3A_148, %add3A_158 : i32
          %or3A_247 = arith.constant false
          %or3A_248 = arith.ori %or3A_247, %ne3A_246 : i1
          %not3A_249 = arith.constant true
          %not3A_250 = arith.xori %eq3A_144, %not3A_249 : i1
          %and3A_251 = arith.andi %or3A_248, %not3A_250 : i1
          %convert_element_type3A_252 = arith.extui %and3A_251 : i1 to i32
          %cond3A_253 = arith.constant 0 : i32
          %cond3A_254 = arith.cmpi ne, %convert_element_type3A_252, %cond3A_253 : i32
          scf.if %cond3A_254 {
          } else {
          }
          %and3A_255 = arith.constant false
          %and3A_256 = arith.andi %and3A_251, %and3A_255 : i1
          %ne3A_257 = arith.cmpi ne, %add3A_148, %add3A_158 : i32
          %or3A_258 = arith.constant false
          %or3A_259 = arith.ori %or3A_258, %ne3A_257 : i1
          %or3A_260 = arith.constant false
          %or3A_261 = arith.ori %or3A_259, %or3A_260 : i1
          %not3A_262 = arith.constant true
          %not3A_263 = arith.xori %eq3A_144, %not3A_262 : i1
          %and3A_264 = arith.andi %or3A_261, %not3A_263 : i1
          %convert_element_type3A_265 = arith.extui %and3A_264 : i1 to i32
          %cond3A_266 = arith.constant 0 : i32
          %cond3A_267 = arith.cmpi ne, %convert_element_type3A_265, %cond3A_266 : i32
          scf.if %cond3A_267 {
            "tpu.trace_start"() <{level = 10 : i32, message = "ep_wait_out"}> : () -> ()
            %rem3A_287 = arith.constant 2 : i32
            %rem3A_288 = arith.remui %while3A_139, %rem3A_287 : i32
            %mul3A_289 = arith.constant 128 : i32
            %mul3A_290 = arith.muli %mul3A_289, %add3A_158 : i32
            %dma_wait3A = arith.constant 0 : i32
            %dma_wait3A_291 = arith.constant 0 : i32
            %dma_wait3A_292 = tpu.memref_slice %run_scoped3A_11[%rem3A_288, %dma_wait3A, %dma_wait3A_291] : memref<2x128x256xf32, #tpu.memory_space<vmem>> -> memref<1x128x256xf32, #tpu.memory_space<vmem>>
            %dma_wait3A_293 = tpu.memref_squeeze %dma_wait3A_292 : memref<1x128x256xf32, #tpu.memory_space<vmem>> -> memref<128x256xf32, #tpu.memory_space<vmem>>
            %dma_wait3A_294 = arith.constant 0 : i32
            %dma_wait3A_295 = tpu.memref_slice %arg4[%mul3A_290, %dma_wait3A_294] : memref<6272x256xf32, #tpu.memory_space<hbm>> -> memref<128x256xf32, #tpu.memory_space<hbm>>
            %dma_wait3A_296 = tpu.memref_slice %run_scoped3A_12[%rem3A_288] : memref<2x!tpu.dma_semaphore, #tpu.memory_space<semaphore_mem>> -> memref<1x!tpu.dma_semaphore, #tpu.memory_space<semaphore_mem>>
            %dma_wait3A_297 = tpu.memref_squeeze %dma_wait3A_296 : memref<1x!tpu.dma_semaphore, #tpu.memory_space<semaphore_mem>> -> memref<!tpu.dma_semaphore, #tpu.memory_space<semaphore_mem>>
            %dma_wait3A_298 = arith.constant 0 : i32
            %dma_wait3A_299 = tpu.memref_slice %arg4[%mul3A_290, %dma_wait3A_298] : memref<6272x256xf32, #tpu.memory_space<hbm>> -> memref<128x256xf32, #tpu.memory_space<hbm>>
            %dma_wait3A_300 = arith.constant 0 : i32
            %dma_wait3A_301 = arith.constant 0 : i32
            %dma_wait3A_302 = tpu.memref_slice %run_scoped3A_11[%rem3A_288, %dma_wait3A_300, %dma_wait3A_301] : memref<2x128x256xf32, #tpu.memory_space<vmem>> -> memref<1x128x256xf32, #tpu.memory_space<vmem>>
            %dma_wait3A_303 = tpu.memref_squeeze %dma_wait3A_302 : memref<1x128x256xf32, #tpu.memory_space<vmem>> -> memref<128x256xf32, #tpu.memory_space<vmem>>
            tpu.wait_dma2 semaphore(%dma_wait3A_297 : memref<!tpu.dma_semaphore, #tpu.memory_space<semaphore_mem>>) src(%dma_wait3A_303 : memref<128x256xf32, #tpu.memory_space<vmem>>) dst(%dma_wait3A_299 : memref<128x256xf32, #tpu.memory_space<hbm>>)
            "tpu.trace_stop"() : () -> ()
          } else {
          }
          %and3A_268 = arith.constant true
          %and3A_269 = arith.andi %and3A_264, %and3A_268 : i1
          %add3A_270 = arith.constant 1 : i32
          %add3A_271 = arith.addi %while3A_139, %add3A_270 : i32
          %select_n3A_272 = arith.select %and3A_269, %add3A_271, %while3A_139 : i32
          %ne3A_273 = arith.cmpi ne, %add3A_148, %add3A_166 : i32
          %or3A_274 = arith.constant false
          %or3A_275 = arith.ori %or3A_274, %ne3A_273 : i1
          %or3A_276 = arith.ori %or3A_275, %eq3A_147 : i1
          %add3A_277 = arith.constant 1 : i32
          %add3A_278 = arith.addi %while3A_137, %add3A_277 : i32
          %select_n3A_279 = arith.select %or3A_276, %add3A_278, %while3A_137 : i32
          %add3A_280 = arith.constant 1 : i32
          %add3A_281 = arith.addi %while3A_140, %add3A_280 : i32
          %select_n3A_282 = arith.constant true
          %select_n3A_283 = arith.select %select_n3A_282, %add3A_281, %while3A_140 : i32
          %eq3A_284 = arith.cmpi eq, %select_n3A_283, %select_n3A : i32
          %select_n3A_285 = arith.constant 0 : i32
          %select_n3A_286 = arith.select %eq3A_284, %select_n3A_285, %select_n3A_283 : i32
          scf.yield %select_n3A_188, %select_n3A_279, %select_n3A_245, %select_n3A_272, %select_n3A_286 : i32, i32, i32, i32, i32
        }
        %while3A_82 = arith.constant 1 : i32
        %while3A_83:5 = scf.for %while3A_135 = %while3A_79 to %while3A_75 step %while3A_82 iter_args(%while3A_136 = %while3A_81#0, %while3A_137 = %while3A_81#1, %while3A_138 = %while3A_81#2, %while3A_139 = %while3A_81#3, %while3A_140 = %while3A_81#4) -> (i32, i32, i32, i32, i32)  : i32 {
          %mul3A_141 = arith.constant 1 : i32
          %mul3A_142 = arith.muli %mul3A_141, %select_n3A : i32
          %eq3A_143 = arith.constant 0 : i32
          %eq3A_144 = arith.cmpi eq, %while3A_135, %eq3A_143 : i32
          %sub3A_145 = arith.constant 1 : i32
          %sub3A_146 = arith.subi %mul3A_142, %sub3A_145 : i32
          %eq3A_147 = arith.cmpi eq, %while3A_135, %sub3A_146 : i32
          %add3A_148 = arith.addi %while3A_140, %select_n3A_7 : i32
          %sub3A_149 = arith.constant 1 : i32
          %sub3A_150 = arith.subi %while3A_140, %sub3A_149 : i32
          %select_n3A_151 = arith.constant true
          %select_n3A_152 = arith.select %select_n3A_151, %sub3A_150, %while3A_140 : i32
          %eq3A_153 = arith.constant -1 : i32
          %eq3A_154 = arith.cmpi eq, %select_n3A_152, %eq3A_153 : i32
          %sub3A_155 = arith.constant 1 : i32
          %sub3A_156 = arith.subi %select_n3A, %sub3A_155 : i32
          %select_n3A_157 = arith.select %eq3A_154, %sub3A_156, %select_n3A_152 : i32
          %add3A_158 = arith.addi %select_n3A_157, %select_n3A_7 : i32
          %add3A_159 = arith.constant 1 : i32
          %add3A_160 = arith.addi %while3A_140, %add3A_159 : i32
          %select_n3A_161 = arith.constant true
          %select_n3A_162 = arith.select %select_n3A_161, %add3A_160, %while3A_140 : i32
          %eq3A_163 = arith.cmpi eq, %select_n3A_162, %select_n3A : i32
          %select_n3A_164 = arith.constant 0 : i32
          %select_n3A_165 = arith.select %eq3A_163, %select_n3A_164, %select_n3A_162 : i32
          %add3A_166 = arith.addi %select_n3A_165, %select_n3A_7 : i32
          %add3A_167 = arith.constant 1 : i32
          %add3A_168 = arith.addi %select_n3A_165, %add3A_167 : i32
          %select_n3A_169 = arith.constant true
          %select_n3A_170 = arith.select %select_n3A_169, %add3A_168, %select_n3A_165 : i32
          %eq3A_171 = arith.cmpi eq, %select_n3A_170, %select_n3A : i32
          %select_n3A_172 = arith.constant 0 : i32
          %select_n3A_173 = arith.select %eq3A_171, %select_n3A_172, %select_n3A_170 : i32
          %add3A_174 = arith.addi %select_n3A_173, %select_n3A_7 : i32
          %ne3A = arith.cmpi ne, %add3A_148, %add3A_166 : i32
          %or3A = arith.constant false
          %or3A_175 = arith.ori %or3A, %ne3A : i1
          %sub3A_176 = arith.constant 2 : i32
          %sub3A_177 = arith.subi %mul3A_142, %sub3A_176 : i32
          %add3A_178 = arith.constant 1 : i32
          %add3A_179 = arith.addi %sub3A_177, %add3A_178 : i32
          %ge3A = arith.cmpi sge, %while3A_135, %add3A_179 : i32
          %not3A = arith.constant true
          %not3A_180 = arith.xori %ge3A, %not3A : i1
          %and3A = arith.andi %or3A_175, %not3A_180 : i1
          %convert_element_type3A_181 = arith.extui %and3A : i1 to i32
          %cond3A_182 = arith.constant 0 : i32
          %cond3A_183 = arith.cmpi ne, %convert_element_type3A_181, %cond3A_182 : i32
          scf.if %cond3A_183 {
            "tpu.trace_start"() <{level = 10 : i32, message = "ep_copy_in"}> : () -> ()
            %rem3A_287 = arith.constant 2 : i32
            %rem3A_288 = arith.remui %while3A_136, %rem3A_287 : i32
            %mul3A_289 = arith.constant 128 : i32
            %mul3A_290 = arith.muli %mul3A_289, %add3A_166 : i32
            %dma_start3A_291 = arith.constant 0 : i32
            %dma_start3A_292 = arith.constant 0 : i32
            %dma_start3A_293 = tpu.memref_slice %run_scoped3A[%rem3A_288, %dma_start3A_291, %dma_start3A_292] : memref<2x1x128xi32, #tpu.memory_space<vmem>> -> memref<1x1x128xi32, #tpu.memory_space<vmem>>
            %dma_start3A_294 = tpu.memref_squeeze %dma_start3A_293 : memref<1x1x128xi32, #tpu.memory_space<vmem>> -> memref<1x128xi32, #tpu.memory_space<vmem>>
            %dma_start3A_295 = arith.constant 0 : i32
            %dma_start3A_296 = tpu.memref_slice %arg3[%dma_start3A_295, %mul3A_290] : memref<1x6272xi32, #tpu.memory_space<hbm>> -> memref<1x128xi32, #tpu.memory_space<hbm>>
            %dma_start3A_297 = tpu.memref_slice %run_scoped3A_10[%rem3A_288] : memref<2x!tpu.dma_semaphore, #tpu.memory_space<semaphore_mem>> -> memref<1x!tpu.dma_semaphore, #tpu.memory_space<semaphore_mem>>
            %dma_start3A_298 = tpu.memref_squeeze %dma_start3A_297 : memref<1x!tpu.dma_semaphore, #tpu.memory_space<semaphore_mem>> -> memref<!tpu.dma_semaphore, #tpu.memory_space<semaphore_mem>>
            %dma_start3A_299 = arith.constant 0 : i32
            %dma_start3A_300 = arith.constant 0 : i32
            %dma_start3A_301 = tpu.memref_slice %run_scoped3A[%rem3A_288, %dma_start3A_299, %dma_start3A_300] : memref<2x1x128xi32, #tpu.memory_space<vmem>> -> memref<1x1x128xi32, #tpu.memory_space<vmem>>
            %dma_start3A_302 = tpu.memref_squeeze %dma_start3A_301 : memref<1x1x128xi32, #tpu.memory_space<vmem>> -> memref<1x128xi32, #tpu.memory_space<vmem>>
            %dma_start3A_303 = arith.constant 0 : i32
            %dma_start3A_304 = tpu.memref_slice %arg3[%dma_start3A_303, %mul3A_290] : memref<1x6272xi32, #tpu.memory_space<hbm>> -> memref<1x128xi32, #tpu.memory_space<hbm>>
            tpu.enqueue_dma source(%dma_start3A_304 : memref<1x128xi32, #tpu.memory_space<hbm>>) target(%dma_start3A_302 : memref<1x128xi32, #tpu.memory_space<vmem>>) target_semaphore(%dma_start3A_298 : memref<!tpu.dma_semaphore, #tpu.memory_space<semaphore_mem>>)
            "tpu.trace_stop"() : () -> ()
          } else {
          }
          %and3A_184 = arith.constant true
          %and3A_185 = arith.andi %and3A, %and3A_184 : i1
          %add3A_186 = arith.constant 1 : i32
          %add3A_187 = arith.addi %while3A_136, %add3A_186 : i32
          %select_n3A_188 = arith.select %and3A_185, %add3A_187, %while3A_136 : i32
          %ne3A_189 = arith.cmpi ne, %add3A_148, %add3A_166 : i32
          %or3A_190 = arith.constant false
          %or3A_191 = arith.ori %or3A_190, %ne3A_189 : i1
          %or3A_192 = arith.constant false
          %or3A_193 = arith.ori %or3A_191, %or3A_192 : i1
          %sub3A_194 = arith.constant 2 : i32
          %sub3A_195 = arith.subi %mul3A_142, %sub3A_194 : i32
          %add3A_196 = arith.constant 1 : i32
          %add3A_197 = arith.addi %sub3A_195, %add3A_196 : i32
          %ge3A_198 = arith.cmpi sge, %while3A_135, %add3A_197 : i32
          %not3A_199 = arith.constant true
          %not3A_200 = arith.xori %ge3A_198, %not3A_199 : i1
          %and3A_201 = arith.andi %or3A_193, %not3A_200 : i1
          %ne3A_202 = arith.cmpi ne, %add3A_148, %add3A_158 : i32
          %or3A_203 = arith.constant false
          %or3A_204 = arith.ori %or3A_203, %ne3A_202 : i1
          %or3A_205 = arith.ori %or3A_204, %eq3A_144 : i1
          %convert_element_type3A_206 = arith.extui %or3A_205 : i1 to i32
          %cond3A_207 = arith.constant 0 : i32
          %cond3A_208 = arith.cmpi ne, %convert_element_type3A_206, %cond3A_207 : i32
          scf.if %cond3A_208 {
            "tpu.trace_start"() <{level = 10 : i32, message = "ep_wait_in"}> : () -> ()
            %mul3A_287 = arith.constant 128 : i32
            %mul3A_288 = arith.muli %mul3A_287, %add3A_148 : i32
            %rem3A_289 = arith.constant 2 : i32
            %rem3A_290 = arith.remui %while3A_137, %rem3A_289 : i32
            %dma_wait3A = arith.constant 0 : i32
            %dma_wait3A_291 = arith.constant 0 : i32
            %dma_wait3A_292 = tpu.memref_slice %run_scoped3A[%rem3A_290, %dma_wait3A, %dma_wait3A_291] : memref<2x1x128xi32, #tpu.memory_space<vmem>> -> memref<1x1x128xi32, #tpu.memory_space<vmem>>
            %dma_wait3A_293 = tpu.memref_squeeze %dma_wait3A_292 : memref<1x1x128xi32, #tpu.memory_space<vmem>> -> memref<1x128xi32, #tpu.memory_space<vmem>>
            %dma_wait3A_294 = arith.constant 0 : i32
            %dma_wait3A_295 = tpu.memref_slice %arg3[%dma_wait3A_294, %mul3A_288] : memref<1x6272xi32, #tpu.memory_space<hbm>> -> memref<1x128xi32, #tpu.memory_space<hbm>>
            %dma_wait3A_296 = tpu.memref_slice %run_scoped3A_10[%rem3A_290] : memref<2x!tpu.dma_semaphore, #tpu.memory_space<semaphore_mem>> -> memref<1x!tpu.dma_semaphore, #tpu.memory_space<semaphore_mem>>
            %dma_wait3A_297 = tpu.memref_squeeze %dma_wait3A_296 : memref<1x!tpu.dma_semaphore, #tpu.memory_space<semaphore_mem>> -> memref<!tpu.dma_semaphore, #tpu.memory_space<semaphore_mem>>
            %dma_wait3A_298 = arith.constant 0 : i32
            %dma_wait3A_299 = arith.constant 0 : i32
            %dma_wait3A_300 = tpu.memref_slice %run_scoped3A[%rem3A_290, %dma_wait3A_298, %dma_wait3A_299] : memref<2x1x128xi32, #tpu.memory_space<vmem>> -> memref<1x1x128xi32, #tpu.memory_space<vmem>>
            %dma_wait3A_301 = tpu.memref_squeeze %dma_wait3A_300 : memref<1x1x128xi32, #tpu.memory_space<vmem>> -> memref<1x128xi32, #tpu.memory_space<vmem>>
            %dma_wait3A_302 = arith.constant 0 : i32
            %dma_wait3A_303 = tpu.memref_slice %arg3[%dma_wait3A_302, %mul3A_288] : memref<1x6272xi32, #tpu.memory_space<hbm>> -> memref<1x128xi32, #tpu.memory_space<hbm>>
            tpu.wait_dma2 semaphore(%dma_wait3A_297 : memref<!tpu.dma_semaphore, #tpu.memory_space<semaphore_mem>>) src(%dma_wait3A_303 : memref<1x128xi32, #tpu.memory_space<hbm>>) dst(%dma_wait3A_301 : memref<1x128xi32, #tpu.memory_space<vmem>>)
            "tpu.trace_stop"() : () -> ()
          } else {
          }
          %ne3A_209 = arith.cmpi ne, %add3A_148, %add3A_158 : i32
          %or3A_210 = arith.constant false
          %or3A_211 = arith.ori %or3A_210, %ne3A_209 : i1
          %or3A_212 = arith.constant false
          %or3A_213 = arith.ori %or3A_211, %or3A_212 : i1
          %or3A_214 = arith.ori %or3A_213, %eq3A_144 : i1
          %convert_element_type3A_215 = arith.extui %or3A_214 : i1 to i32
          %cond3A_216 = arith.constant 0 : i32
          %cond3A_217 = arith.cmpi ne, %convert_element_type3A_215, %cond3A_216 : i32
          scf.if %cond3A_217 {
          } else {
          }
          %rem3A_218 = arith.constant 2 : i32
          %rem3A_219 = arith.remui %while3A_137, %rem3A_218 : i32
          %rem3A_220 = arith.constant 2 : i32
          %rem3A_221 = arith.remui %while3A_138, %rem3A_220 : i32
          %run_scoped3A_222 = arith.constant 0 : i32
          "tpu.trace_start"() <{level = 10 : i32, message = "ep_run_kernel"}> : () -> ()
          "tpu.region"() ({
            %run_scoped3A_287 = tpu.sem_alloc : memref<!tpu.dma_semaphore, #tpu.memory_space<semaphore_mem>>
            %dma_start3A_288 = arith.constant 0 : i32
            %dma_start3A_289 = arith.constant 0 : i32
            %dma_start3A_290 = tpu.memref_slice %run_scoped3A_11[%rem3A_221, %dma_start3A_288, %dma_start3A_289] : memref<2x128x256xf32, #tpu.memory_space<vmem>> -> memref<1x128x256xf32, #tpu.memory_space<vmem>>
            %dma_start3A_291 = tpu.memref_squeeze %dma_start3A_290 : memref<1x128x256xf32, #tpu.memory_space<vmem>> -> memref<128x256xf32, #tpu.memory_space<vmem>>
            %dma_start3A_292 = arith.constant 0 : i32
            %dma_start3A_293 = arith.constant 0 : i32
            %dma_start3A_294 = tpu.memref_slice %run_scoped3A[%rem3A_219, %dma_start3A_292, %dma_start3A_293] : memref<2x1x128xi32, #tpu.memory_space<vmem>> -> memref<1x1x128xi32, #tpu.memory_space<vmem>>
            %dma_start3A_295 = tpu.memref_squeeze %dma_start3A_294 : memref<1x1x128xi32, #tpu.memory_space<vmem>> -> memref<1x128xi32, #tpu.memory_space<vmem>>
            %dma_start3A_296 = arith.constant 0 : i32
            %dma_start3A_297 = tpu.memref_slice %dma_start3A_295[%run_scoped3A_222, %dma_start3A_296] : memref<1x128xi32, #tpu.memory_space<vmem>> -> memref<1x128xi32, #tpu.memory_space<vmem>>
            %dma_start3A_298 = tpu.memref_squeeze %dma_start3A_297 : memref<1x128xi32, #tpu.memory_space<vmem>> -> memref<128xi32, #tpu.memory_space<vmem>>
            %dma_start3A_299 = arith.constant 0 : i32
            %dma_start3A_300 = arith.constant 0 : i32
            %dma_start3A_301 = tpu.memref_slice %arg2[%dma_start3A_299, %dma_start3A_300] : memref<1024x256xf32, #tpu.memory_space<hbm>> -> memref<1024x256xf32, #tpu.memory_space<hbm>>
            tpu.enqueue_indirect_dma source(%dma_start3A_301 : memref<1024x256xf32, #tpu.memory_space<hbm>>) target(%dma_start3A_291 : memref<128x256xf32, #tpu.memory_space<vmem>>) offsets(%dma_start3A_298 : memref<128xi32, #tpu.memory_space<vmem>>) semaphore(%run_scoped3A_287 : memref<!tpu.dma_semaphore, #tpu.memory_space<semaphore_mem>>)
            %dma_wait3A = arith.constant 0 : i32
            %dma_wait3A_302 = arith.constant 0 : i32
            %dma_wait3A_303 = tpu.memref_slice %run_scoped3A_11[%rem3A_221, %dma_wait3A, %dma_wait3A_302] : memref<2x128x256xf32, #tpu.memory_space<vmem>> -> memref<1x128x256xf32, #tpu.memory_space<vmem>>
            %dma_wait3A_304 = tpu.memref_squeeze %dma_wait3A_303 : memref<1x128x256xf32, #tpu.memory_space<vmem>> -> memref<128x256xf32, #tpu.memory_space<vmem>>
            %dma_wait3A_305 = arith.constant 0 : i32
            %dma_wait3A_306 = arith.constant 0 : i32
            %dma_wait3A_307 = tpu.memref_slice %run_scoped3A[%rem3A_219, %dma_wait3A_305, %dma_wait3A_306] : memref<2x1x128xi32, #tpu.memory_space<vmem>> -> memref<1x1x128xi32, #tpu.memory_space<vmem>>
            %dma_wait3A_308 = tpu.memref_squeeze %dma_wait3A_307 : memref<1x1x128xi32, #tpu.memory_space<vmem>> -> memref<1x128xi32, #tpu.memory_space<vmem>>
            %dma_wait3A_309 = arith.constant 0 : i32
            %dma_wait3A_310 = tpu.memref_slice %dma_wait3A_308[%run_scoped3A_222, %dma_wait3A_309] : memref<1x128xi32, #tpu.memory_space<vmem>> -> memref<1x128xi32, #tpu.memory_space<vmem>>
            %dma_wait3A_311 = tpu.memref_squeeze %dma_wait3A_310 : memref<1x128xi32, #tpu.memory_space<vmem>> -> memref<128xi32, #tpu.memory_space<vmem>>
            %dma_wait3A_312 = arith.constant 0 : i32
            %dma_wait3A_313 = arith.constant 0 : i32
            %dma_wait3A_314 = tpu.memref_slice %arg2[%dma_wait3A_312, %dma_wait3A_313] : memref<1024x256xf32, #tpu.memory_space<hbm>> -> memref<1024x256xf32, #tpu.memory_space<hbm>>
            tpu.wait_indirect_dma semaphore(%run_scoped3A_287 : memref<!tpu.dma_semaphore, #tpu.memory_space<semaphore_mem>>) src(%dma_wait3A_314 : memref<1024x256xf32, #tpu.memory_space<hbm>>) dst(%dma_wait3A_304 : memref<128x256xf32, #tpu.memory_space<vmem>>)
            tpu.yield
          }) : () -> ()
          "tpu.trace_stop"() : () -> ()
          %ne3A_223 = arith.cmpi ne, %add3A_148, %add3A_166 : i32
          %or3A_224 = arith.constant false
          %or3A_225 = arith.ori %or3A_224, %ne3A_223 : i1
          %or3A_226 = arith.ori %or3A_225, %eq3A_147 : i1
          %convert_element_type3A_227 = arith.extui %or3A_226 : i1 to i32
          %cond3A_228 = arith.constant 0 : i32
          %cond3A_229 = arith.cmpi ne, %convert_element_type3A_227, %cond3A_228 : i32
          scf.if %cond3A_229 {
          } else {
          }
          %and3A_230 = arith.constant false
          %and3A_231 = arith.andi %or3A_226, %and3A_230 : i1
          %ne3A_232 = arith.cmpi ne, %add3A_148, %add3A_166 : i32
          %or3A_233 = arith.constant false
          %or3A_234 = arith.ori %or3A_233, %ne3A_232 : i1
          %or3A_235 = arith.constant false
          %or3A_236 = arith.ori %or3A_234, %or3A_235 : i1
          %or3A_237 = arith.ori %or3A_236, %eq3A_147 : i1
          %convert_element_type3A_238 = arith.extui %or3A_237 : i1 to i32
          %cond3A_239 = arith.constant 0 : i32
          %cond3A_240 = arith.cmpi ne, %convert_element_type3A_238, %cond3A_239 : i32
          scf.if %cond3A_240 {
            "tpu.trace_start"() <{level = 10 : i32, message = "ep_copy_out"}> : () -> ()
            %rem3A_287 = arith.constant 2 : i32
            %rem3A_288 = arith.remui %while3A_138, %rem3A_287 : i32
            %mul3A_289 = arith.constant 128 : i32
            %mul3A_290 = arith.muli %mul3A_289, %add3A_148 : i32
            %dma_start3A_291 = arith.constant 0 : i32
            %dma_start3A_292 = arith.constant 0 : i32
            %dma_start3A_293 = tpu.memref_slice %run_scoped3A_11[%rem3A_288, %dma_start3A_291, %dma_start3A_292] : memref<2x128x256xf32, #tpu.memory_space<vmem>> -> memref<1x128x256xf32, #tpu.memory_space<vmem>>
            %dma_start3A_294 = tpu.memref_squeeze %dma_start3A_293 : memref<1x128x256xf32, #tpu.memory_space<vmem>> -> memref<128x256xf32, #tpu.memory_space<vmem>>
            %dma_start3A_295 = arith.constant 0 : i32
            %dma_start3A_296 = tpu.memref_slice %arg4[%mul3A_290, %dma_start3A_295] : memref<6272x256xf32, #tpu.memory_space<hbm>> -> memref<128x256xf32, #tpu.memory_space<hbm>>
            %dma_start3A_297 = tpu.memref_slice %run_scoped3A_12[%rem3A_288] : memref<2x!tpu.dma_semaphore, #tpu.memory_space<semaphore_mem>> -> memref<1x!tpu.dma_semaphore, #tpu.memory_space<semaphore_mem>>
            %dma_start3A_298 = tpu.memref_squeeze %dma_start3A_297 : memref<1x!tpu.dma_semaphore, #tpu.memory_space<semaphore_mem>> -> memref<!tpu.dma_semaphore, #tpu.memory_space<semaphore_mem>>
            %dma_start3A_299 = arith.constant 0 : i32
            %dma_start3A_300 = tpu.memref_slice %arg4[%mul3A_290, %dma_start3A_299] : memref<6272x256xf32, #tpu.memory_space<hbm>> -> memref<128x256xf32, #tpu.memory_space<hbm>>
            %dma_start3A_301 = arith.constant 0 : i32
            %dma_start3A_302 = arith.constant 0 : i32
            %dma_start3A_303 = tpu.memref_slice %run_scoped3A_11[%rem3A_288, %dma_start3A_301, %dma_start3A_302] : memref<2x128x256xf32, #tpu.memory_space<vmem>> -> memref<1x128x256xf32, #tpu.memory_space<vmem>>
            %dma_start3A_304 = tpu.memref_squeeze %dma_start3A_303 : memref<1x128x256xf32, #tpu.memory_space<vmem>> -> memref<128x256xf32, #tpu.memory_space<vmem>>
            tpu.enqueue_dma source(%dma_start3A_304 : memref<128x256xf32, #tpu.memory_space<vmem>>) target(%dma_start3A_300 : memref<128x256xf32, #tpu.memory_space<hbm>>) target_semaphore(%dma_start3A_298 : memref<!tpu.dma_semaphore, #tpu.memory_space<semaphore_mem>>)
            "tpu.trace_stop"() : () -> ()
          } else {
          }
          %and3A_241 = arith.constant true
          %and3A_242 = arith.andi %or3A_237, %and3A_241 : i1
          %add3A_243 = arith.constant 1 : i32
          %add3A_244 = arith.addi %while3A_138, %add3A_243 : i32
          %select_n3A_245 = arith.select %and3A_242, %add3A_244, %while3A_138 : i32
          %ne3A_246 = arith.cmpi ne, %add3A_148, %add3A_158 : i32
          %or3A_247 = arith.constant false
          %or3A_248 = arith.ori %or3A_247, %ne3A_246 : i1
          %not3A_249 = arith.constant true
          %not3A_250 = arith.xori %eq3A_144, %not3A_249 : i1
          %and3A_251 = arith.andi %or3A_248, %not3A_250 : i1
          %convert_element_type3A_252 = arith.extui %and3A_251 : i1 to i32
          %cond3A_253 = arith.constant 0 : i32
          %cond3A_254 = arith.cmpi ne, %convert_element_type3A_252, %cond3A_253 : i32
          scf.if %cond3A_254 {
          } else {
          }
          %and3A_255 = arith.constant false
          %and3A_256 = arith.andi %and3A_251, %and3A_255 : i1
          %ne3A_257 = arith.cmpi ne, %add3A_148, %add3A_158 : i32
          %or3A_258 = arith.constant false
          %or3A_259 = arith.ori %or3A_258, %ne3A_257 : i1
          %or3A_260 = arith.constant false
          %or3A_261 = arith.ori %or3A_259, %or3A_260 : i1
          %not3A_262 = arith.constant true
          %not3A_263 = arith.xori %eq3A_144, %not3A_262 : i1
          %and3A_264 = arith.andi %or3A_261, %not3A_263 : i1
          %convert_element_type3A_265 = arith.extui %and3A_264 : i1 to i32
          %cond3A_266 = arith.constant 0 : i32
          %cond3A_267 = arith.cmpi ne, %convert_element_type3A_265, %cond3A_266 : i32
          scf.if %cond3A_267 {
            "tpu.trace_start"() <{level = 10 : i32, message = "ep_wait_out"}> : () -> ()
            %rem3A_287 = arith.constant 2 : i32
            %rem3A_288 = arith.remui %while3A_139, %rem3A_287 : i32
            %mul3A_289 = arith.constant 128 : i32
            %mul3A_290 = arith.muli %mul3A_289, %add3A_158 : i32
            %dma_wait3A = arith.constant 0 : i32
            %dma_wait3A_291 = arith.constant 0 : i32
            %dma_wait3A_292 = tpu.memref_slice %run_scoped3A_11[%rem3A_288, %dma_wait3A, %dma_wait3A_291] : memref<2x128x256xf32, #tpu.memory_space<vmem>> -> memref<1x128x256xf32, #tpu.memory_space<vmem>>
            %dma_wait3A_293 = tpu.memref_squeeze %dma_wait3A_292 : memref<1x128x256xf32, #tpu.memory_space<vmem>> -> memref<128x256xf32, #tpu.memory_space<vmem>>
            %dma_wait3A_294 = arith.constant 0 : i32
            %dma_wait3A_295 = tpu.memref_slice %arg4[%mul3A_290, %dma_wait3A_294] : memref<6272x256xf32, #tpu.memory_space<hbm>> -> memref<128x256xf32, #tpu.memory_space<hbm>>
            %dma_wait3A_296 = tpu.memref_slice %run_scoped3A_12[%rem3A_288] : memref<2x!tpu.dma_semaphore, #tpu.memory_space<semaphore_mem>> -> memref<1x!tpu.dma_semaphore, #tpu.memory_space<semaphore_mem>>
            %dma_wait3A_297 = tpu.memref_squeeze %dma_wait3A_296 : memref<1x!tpu.dma_semaphore, #tpu.memory_space<semaphore_mem>> -> memref<!tpu.dma_semaphore, #tpu.memory_space<semaphore_mem>>
            %dma_wait3A_298 = arith.constant 0 : i32
            %dma_wait3A_299 = tpu.memref_slice %arg4[%mul3A_290, %dma_wait3A_298] : memref<6272x256xf32, #tpu.memory_space<hbm>> -> memref<128x256xf32, #tpu.memory_space<hbm>>
            %dma_wait3A_300 = arith.constant 0 : i32
            %dma_wait3A_301 = arith.constant 0 : i32
            %dma_wait3A_302 = tpu.memref_slice %run_scoped3A_11[%rem3A_288, %dma_wait3A_300, %dma_wait3A_301] : memref<2x128x256xf32, #tpu.memory_space<vmem>> -> memref<1x128x256xf32, #tpu.memory_space<vmem>>
            %dma_wait3A_303 = tpu.memref_squeeze %dma_wait3A_302 : memref<1x128x256xf32, #tpu.memory_space<vmem>> -> memref<128x256xf32, #tpu.memory_space<vmem>>
            tpu.wait_dma2 semaphore(%dma_wait3A_297 : memref<!tpu.dma_semaphore, #tpu.memory_space<semaphore_mem>>) src(%dma_wait3A_303 : memref<128x256xf32, #tpu.memory_space<vmem>>) dst(%dma_wait3A_299 : memref<128x256xf32, #tpu.memory_space<hbm>>)
            "tpu.trace_stop"() : () -> ()
          } else {
          }
          %and3A_268 = arith.constant true
          %and3A_269 = arith.andi %and3A_264, %and3A_268 : i1
          %add3A_270 = arith.constant 1 : i32
          %add3A_271 = arith.addi %while3A_139, %add3A_270 : i32
          %select_n3A_272 = arith.select %and3A_269, %add3A_271, %while3A_139 : i32
          %ne3A_273 = arith.cmpi ne, %add3A_148, %add3A_166 : i32
          %or3A_274 = arith.constant false
          %or3A_275 = arith.ori %or3A_274, %ne3A_273 : i1
          %or3A_276 = arith.ori %or3A_275, %eq3A_147 : i1
          %add3A_277 = arith.constant 1 : i32
          %add3A_278 = arith.addi %while3A_137, %add3A_277 : i32
          %select_n3A_279 = arith.select %or3A_276, %add3A_278, %while3A_137 : i32
          %add3A_280 = arith.constant 1 : i32
          %add3A_281 = arith.addi %while3A_140, %add3A_280 : i32
          %select_n3A_282 = arith.constant true
          %select_n3A_283 = arith.select %select_n3A_282, %add3A_281, %while3A_140 : i32
          %eq3A_284 = arith.cmpi eq, %select_n3A_283, %select_n3A : i32
          %select_n3A_285 = arith.constant 0 : i32
          %select_n3A_286 = arith.select %eq3A_284, %select_n3A_285, %select_n3A_283 : i32
          scf.yield %select_n3A_188, %select_n3A_279, %select_n3A_245, %select_n3A_272, %select_n3A_286 : i32, i32, i32, i32, i32
        }
        %sub3A_84 = arith.constant 1 : i32
        %sub3A_85 = arith.subi %while3A_83#4, %sub3A_84 : i32
        %select_n3A_86 = arith.constant true
        %select_n3A_87 = arith.select %select_n3A_86, %sub3A_85, %while3A_83#4 : i32
        %eq3A_88 = arith.constant -1 : i32
        %eq3A_89 = arith.cmpi eq, %select_n3A_87, %eq3A_88 : i32
        %sub3A_90 = arith.constant 1 : i32
        %sub3A_91 = arith.subi %select_n3A, %sub3A_90 : i32
        %select_n3A_92 = arith.select %eq3A_89, %sub3A_91, %select_n3A_87 : i32
        %sub3A_93 = arith.constant 1 : i32
        %sub3A_94 = arith.subi %mul3A_9, %sub3A_93 : i32
        %mul3A_95 = arith.constant 1 : i32
        %mul3A_96 = arith.muli %mul3A_95, %select_n3A : i32
        %eq3A_97 = arith.constant 0 : i32
        %eq3A_98 = arith.cmpi eq, %sub3A_94, %eq3A_97 : i32
        %sub3A_99 = arith.constant 1 : i32
        %sub3A_100 = arith.subi %mul3A_96, %sub3A_99 : i32
        %eq3A_101 = arith.cmpi eq, %sub3A_94, %sub3A_100 : i32
        %add3A_102 = arith.addi %select_n3A_92, %select_n3A_7 : i32
        %sub3A_103 = arith.constant 1 : i32
        %sub3A_104 = arith.subi %select_n3A_92, %sub3A_103 : i32
        %select_n3A_105 = arith.constant true
        %select_n3A_106 = arith.select %select_n3A_105, %sub3A_104, %select_n3A_92 : i32
        %eq3A_107 = arith.constant -1 : i32
        %eq3A_108 = arith.cmpi eq, %select_n3A_106, %eq3A_107 : i32
        %sub3A_109 = arith.constant 1 : i32
        %sub3A_110 = arith.subi %select_n3A, %sub3A_109 : i32
        %select_n3A_111 = arith.select %eq3A_108, %sub3A_110, %select_n3A_106 : i32
        %add3A_112 = arith.addi %select_n3A_111, %select_n3A_7 : i32
        %add3A_113 = arith.constant 1 : i32
        %add3A_114 = arith.addi %select_n3A_92, %add3A_113 : i32
        %select_n3A_115 = arith.constant true
        %select_n3A_116 = arith.select %select_n3A_115, %add3A_114, %select_n3A_92 : i32
        %eq3A_117 = arith.cmpi eq, %select_n3A_116, %select_n3A : i32
        %select_n3A_118 = arith.constant 0 : i32
        %select_n3A_119 = arith.select %eq3A_117, %select_n3A_118, %select_n3A_116 : i32
        %add3A_120 = arith.addi %select_n3A_119, %select_n3A_7 : i32
        %add3A_121 = arith.constant 1 : i32
        %add3A_122 = arith.addi %select_n3A_119, %add3A_121 : i32
        %select_n3A_123 = arith.constant true
        %select_n3A_124 = arith.select %select_n3A_123, %add3A_122, %select_n3A_119 : i32
        %eq3A_125 = arith.cmpi eq, %select_n3A_124, %select_n3A : i32
        %select_n3A_126 = arith.constant 0 : i32
        %select_n3A_127 = arith.select %eq3A_125, %select_n3A_126, %select_n3A_124 : i32
        %add3A_128 = arith.addi %select_n3A_127, %select_n3A_7 : i32
        %convert_element_type3A_129 = arith.extui %eq3A_101 : i1 to i32
        %cond3A_130 = arith.constant 0 : i32
        %cond3A_131 = arith.cmpi ne, %convert_element_type3A_129, %cond3A_130 : i32
        scf.if %cond3A_131 {
        } else {
        }
        %convert_element_type3A_132 = arith.extui %eq3A_101 : i1 to i32
        %cond3A_133 = arith.constant 0 : i32
        %cond3A_134 = arith.cmpi ne, %convert_element_type3A_132, %cond3A_133 : i32
        scf.if %cond3A_134 {
          "tpu.trace_start"() <{level = 10 : i32, message = "ep_finalize"}> : () -> ()
          %rem3A_135 = arith.constant 2 : i32
          %rem3A_136 = arith.remui %while3A_83#3, %rem3A_135 : i32
          %mul3A_137 = arith.constant 128 : i32
          %mul3A_138 = arith.muli %mul3A_137, %add3A_102 : i32
          %dma_wait3A = arith.constant 0 : i32
          %dma_wait3A_139 = arith.constant 0 : i32
          %dma_wait3A_140 = tpu.memref_slice %run_scoped3A_11[%rem3A_136, %dma_wait3A, %dma_wait3A_139] : memref<2x128x256xf32, #tpu.memory_space<vmem>> -> memref<1x128x256xf32, #tpu.memory_space<vmem>>
          %dma_wait3A_141 = tpu.memref_squeeze %dma_wait3A_140 : memref<1x128x256xf32, #tpu.memory_space<vmem>> -> memref<128x256xf32, #tpu.memory_space<vmem>>
          %dma_wait3A_142 = arith.constant 0 : i32
          %dma_wait3A_143 = tpu.memref_slice %arg4[%mul3A_138, %dma_wait3A_142] : memref<6272x256xf32, #tpu.memory_space<hbm>> -> memref<128x256xf32, #tpu.memory_space<hbm>>
          %dma_wait3A_144 = tpu.memref_slice %run_scoped3A_12[%rem3A_136] : memref<2x!tpu.dma_semaphore, #tpu.memory_space<semaphore_mem>> -> memref<1x!tpu.dma_semaphore, #tpu.memory_space<semaphore_mem>>
          %dma_wait3A_145 = tpu.memref_squeeze %dma_wait3A_144 : memref<1x!tpu.dma_semaphore, #tpu.memory_space<semaphore_mem>> -> memref<!tpu.dma_semaphore, #tpu.memory_space<semaphore_mem>>
          %dma_wait3A_146 = arith.constant 0 : i32
          %dma_wait3A_147 = tpu.memref_slice %arg4[%mul3A_138, %dma_wait3A_146] : memref<6272x256xf32, #tpu.memory_space<hbm>> -> memref<128x256xf32, #tpu.memory_space<hbm>>
          %dma_wait3A_148 = arith.constant 0 : i32
          %dma_wait3A_149 = arith.constant 0 : i32
          %dma_wait3A_150 = tpu.memref_slice %run_scoped3A_11[%rem3A_136, %dma_wait3A_148, %dma_wait3A_149] : memref<2x128x256xf32, #tpu.memory_space<vmem>> -> memref<1x128x256xf32, #tpu.memory_space<vmem>>
          %dma_wait3A_151 = tpu.memref_squeeze %dma_wait3A_150 : memref<1x128x256xf32, #tpu.memory_space<vmem>> -> memref<128x256xf32, #tpu.memory_space<vmem>>
          tpu.wait_dma2 semaphore(%dma_wait3A_145 : memref<!tpu.dma_semaphore, #tpu.memory_space<semaphore_mem>>) src(%dma_wait3A_151 : memref<128x256xf32, #tpu.memory_space<vmem>>) dst(%dma_wait3A_147 : memref<128x256xf32, #tpu.memory_space<hbm>>)
          "tpu.trace_stop"() : () -> ()
        } else {
        }
      } else {
      }
      tpu.yield
    }) : () -> ()
    return
  }
}

module attributes {stable_mosaic.version = 14 : i64} {
  func.func @_mm_body(%arg0: i32, %arg1: memref<1024x48xf32, #tpu.memory_space<vmem>>, %arg2: memref<48x192xf32, #tpu.memory_space<vmem>>, %arg3: memref<1x192xf32, #tpu.memory_space<vmem>>, %arg4: memref<1024x192xf32, #tpu.memory_space<vmem>>) attributes {dimension_semantics = [#tpu.dimension_semantics<arbitrary>], iteration_bounds = array<i64: 98>, scalar_prefetch = 0 : i64, scratch_operands = 0 : i64, tpu.core_type = #tpu.core_type<tc>, window_params = [{transform_indices = @transform_0, window_bounds = array<i64: 1024, 48>}, {pipeline_mode = #tpu.pipeline_mode<synchronous>, transform_indices = @transform_1, window_bounds = array<i64: 48, 192>}, {pipeline_mode = #tpu.pipeline_mode<synchronous>, transform_indices = @transform_2, window_bounds = array<i64: 1, 192>}, {transform_indices = @transform_3, window_bounds = array<i64: 1024, 192>}]} {
    %get3A = arith.constant 0 : index
    %get3A_0 = arith.constant 0 : index
    %get3A_1 = vector.load %arg1[%get3A, %get3A_0] : memref<1024x48xf32, #tpu.memory_space<vmem>>, vector<1024x48xf32>
    %get3A_2 = arith.constant 0 : index
    %get3A_3 = arith.constant 0 : index
    %get3A_4 = vector.load %arg2[%get3A_2, %get3A_3] : memref<48x192xf32, #tpu.memory_space<vmem>>, vector<48x192xf32>
    %dot_general3A = arith.constant dense<0.000000e+00> : vector<1024x192xf32>
    %dot_general3A_5 = tpu.matmul %get3A_1, %get3A_4, %dot_general3A {dimension_numbers = #tpu.dot_dimension_numbers<[1], [0], [0], [1], [0, 0, 1, 1], [], []>, transpose_lhs_hint = false} : vector<1024x48xf32>, vector<48x192xf32>, vector<1024x192xf32> -> vector<1024x192xf32>
    %get3A_6 = arith.constant 0 : index
    %get3A_7 = arith.constant 0 : index
    %get3A_8 = vector.load %arg3[%get3A_6, %get3A_7] : memref<1x192xf32, #tpu.memory_space<vmem>>, vector<1x192xf32>
    %add3A = vector.broadcast %get3A_8 : vector<1x192xf32> to vector<1024x192xf32>
    %add3A_9 = arith.addf %dot_general3A_5, %add3A : vector<1024x192xf32>
    %max3A = arith.constant 0.000000e+00 : f32
    %max3A_10 = vector.broadcast %max3A : f32 to vector<1024x192xf32>
    %max3A_11 = arith.maximumf %add3A_9, %max3A_10 : vector<1024x192xf32>
    %swap3A = arith.constant 0 : index
    %swap3A_12 = arith.constant 0 : index
    %swap3A_13 = vector.load %arg4[%swap3A, %swap3A_12] : memref<1024x192xf32, #tpu.memory_space<vmem>>, vector<1024x192xf32>
    tpu.vector_store %arg4[%swap3A, %swap3A_12], %max3A_11 {strides = array<i32>} : memref<1024x192xf32, #tpu.memory_space<vmem>>, vector<1024x192xf32>,
    return
  }
  func.func @transform_0(%arg0: i32) -> (i32, i32) {
    %c0_i32 = arith.constant 0 : i32
    %c0_i32_0 = arith.constant 0 : i32
    return %arg0, %c0_i32 : i32, i32
  }
  func.func @transform_1(%arg0: i32) -> (i32, i32) {
    %c0_i32 = arith.constant 0 : i32
    %c0_i32_0 = arith.constant 0 : i32
    %c0_i32_1 = arith.constant 0 : i32
    return %c0_i32, %c0_i32_0 : i32, i32
  }
  func.func @transform_2(%arg0: i32) -> (i32, i32) {
    %c0_i32 = arith.constant 0 : i32
    %c0_i32_0 = arith.constant 0 : i32
    %c0_i32_1 = arith.constant 0 : i32
    return %c0_i32, %c0_i32_0 : i32, i32
  }
  func.func @transform_3(%arg0: i32) -> (i32, i32) {
    %c0_i32 = arith.constant 0 : i32
    %c0_i32_0 = arith.constant 0 : i32
    return %arg0, %c0_i32 : i32, i32
  }
}

module attributes {stable_mosaic.version = 14 : i64} {
  func.func @_mm_taps_body(%arg0: i32, %arg1: i32, %arg2: memref<1x1x896x768xf32, #tpu.memory_space<vmem>>, %arg3: memref<1x768x192xf32, #tpu.memory_space<vmem>>, %arg4: memref<1x192xf32, #tpu.memory_space<vmem>>, %arg5: memref<896x192xf32, #tpu.memory_space<vmem>>) attributes {dimension_semantics = [#tpu.dimension_semantics<arbitrary>, #tpu.dimension_semantics<arbitrary>], iteration_bounds = array<i64: 28, 4>, scalar_prefetch = 0 : i64, scratch_operands = 0 : i64, tpu.core_type = #tpu.core_type<tc>, window_params = [{transform_indices = @transform_0, window_bounds = array<i64: 1, 1, 896, 768>}, {transform_indices = @transform_1, window_bounds = array<i64: 1, 768, 192>}, {pipeline_mode = #tpu.pipeline_mode<synchronous>, transform_indices = @transform_2, window_bounds = array<i64: 1, 192>}, {transform_indices = @transform_3, window_bounds = array<i64: 896, 192>}]} {
    %get3A = arith.constant 0 : index
    %get3A_0 = arith.constant 0 : index
    %get3A_1 = arith.constant 0 : index
    %get3A_2 = arith.constant 0 : index
    %get3A_3 = vector.load %arg2[%get3A, %get3A_0, %get3A_1, %get3A_2] : memref<1x1x896x768xf32, #tpu.memory_space<vmem>>, vector<1x1x896x768xf32>
    %get3A_4 = vector.shape_cast %get3A_3 : vector<1x1x896x768xf32> to vector<896x768xf32>
    %get3A_5 = arith.constant 0 : index
    %get3A_6 = arith.constant 0 : index
    %get3A_7 = arith.constant 0 : index
    %get3A_8 = vector.load %arg3[%get3A_5, %get3A_6, %get3A_7] : memref<1x768x192xf32, #tpu.memory_space<vmem>>, vector<1x768x192xf32>
    %get3A_9 = vector.shape_cast %get3A_8 : vector<1x768x192xf32> to vector<768x192xf32>
    %dot_general3A = arith.constant dense<0.000000e+00> : vector<896x192xf32>
    %dot_general3A_10 = tpu.matmul %get3A_4, %get3A_9, %dot_general3A {dimension_numbers = #tpu.dot_dimension_numbers<[1], [0], [0], [1], [0, 0, 1, 1], [], []>, transpose_lhs_hint = false} : vector<896x768xf32>, vector<768x192xf32>, vector<896x192xf32> -> vector<896x192xf32>
    %eq3A = arith.constant 0 : i32
    %eq3A_11 = arith.cmpi eq, %arg1, %eq3A : i32
    %convert_element_type3A = arith.extui %eq3A_11 : i1 to i32
    %cond3A = arith.constant 0 : i32
    %cond3A_12 = arith.cmpi ne, %convert_element_type3A, %cond3A : i32
    scf.if %cond3A_12 {
      %swap3A = arith.constant 0 : index
      %swap3A_22 = arith.constant 0 : index
      %swap3A_23 = vector.load %arg5[%swap3A, %swap3A_22] : memref<896x192xf32, #tpu.memory_space<vmem>>, vector<896x192xf32>
      tpu.vector_store %arg5[%swap3A, %swap3A_22], %dot_general3A_10 {strides = array<i32>} : memref<896x192xf32, #tpu.memory_space<vmem>>, vector<896x192xf32>,
    } else {
    }
    %gt3A = arith.constant 0 : i32
    %gt3A_13 = arith.cmpi sgt, %arg1, %gt3A : i32
    %convert_element_type3A_14 = arith.extui %gt3A_13 : i1 to i32
    %cond3A_15 = arith.constant 0 : i32
    %cond3A_16 = arith.cmpi ne, %convert_element_type3A_14, %cond3A_15 : i32
    scf.if %cond3A_16 {
      %get3A_22 = arith.constant 0 : index
      %get3A_23 = arith.constant 0 : index
      %get3A_24 = vector.load %arg5[%get3A_22, %get3A_23] : memref<896x192xf32, #tpu.memory_space<vmem>>, vector<896x192xf32>
      %add3A = arith.addf %get3A_24, %dot_general3A_10 : vector<896x192xf32>
      %swap3A = arith.constant 0 : index
      %swap3A_25 = arith.constant 0 : index
      %swap3A_26 = vector.load %arg5[%swap3A, %swap3A_25] : memref<896x192xf32, #tpu.memory_space<vmem>>, vector<896x192xf32>
      tpu.vector_store %arg5[%swap3A, %swap3A_25], %add3A {strides = array<i32>} : memref<896x192xf32, #tpu.memory_space<vmem>>, vector<896x192xf32>,
    } else {
    }
    %eq3A_17 = arith.constant 3 : i32
    %eq3A_18 = arith.cmpi eq, %arg1, %eq3A_17 : i32
    %convert_element_type3A_19 = arith.extui %eq3A_18 : i1 to i32
    %cond3A_20 = arith.constant 0 : i32
    %cond3A_21 = arith.cmpi ne, %convert_element_type3A_19, %cond3A_20 : i32
    scf.if %cond3A_21 {
      %get3A_22 = arith.constant 0 : index
      %get3A_23 = arith.constant 0 : index
      %get3A_24 = vector.load %arg5[%get3A_22, %get3A_23] : memref<896x192xf32, #tpu.memory_space<vmem>>, vector<896x192xf32>
      %get3A_25 = arith.constant 0 : index
      %get3A_26 = arith.constant 0 : index
      %get3A_27 = vector.load %arg4[%get3A_25, %get3A_26] : memref<1x192xf32, #tpu.memory_space<vmem>>, vector<1x192xf32>
      %add3A = vector.broadcast %get3A_27 : vector<1x192xf32> to vector<896x192xf32>
      %add3A_28 = arith.addf %get3A_24, %add3A : vector<896x192xf32>
      %max3A = arith.constant 0.000000e+00 : f32
      %max3A_29 = vector.broadcast %max3A : f32 to vector<896x192xf32>
      %max3A_30 = arith.maximumf %add3A_28, %max3A_29 : vector<896x192xf32>
      %swap3A = arith.constant 0 : index
      %swap3A_31 = arith.constant 0 : index
      %swap3A_32 = vector.load %arg5[%swap3A, %swap3A_31] : memref<896x192xf32, #tpu.memory_space<vmem>>, vector<896x192xf32>
      tpu.vector_store %arg5[%swap3A, %swap3A_31], %max3A_30 {strides = array<i32>} : memref<896x192xf32, #tpu.memory_space<vmem>>, vector<896x192xf32>,
    } else {
    }
    return
  }
  func.func @transform_0(%arg0: i32, %arg1: i32) -> (i32, i32, i32, i32) {
    %c0_i32 = arith.constant 0 : i32
    %c0_i32_0 = arith.constant 0 : i32
    %c0_i32_1 = arith.constant 0 : i32
    return %arg0, %arg1, %c0_i32, %c0_i32_0 : i32, i32, i32, i32
  }
  func.func @transform_1(%arg0: i32, %arg1: i32) -> (i32, i32, i32) {
    %c0_i32 = arith.constant 0 : i32
    %c0_i32_0 = arith.constant 0 : i32
    %c0_i32_1 = arith.constant 0 : i32
    return %arg1, %c0_i32, %c0_i32_0 : i32, i32, i32
  }
  func.func @transform_2(%arg0: i32, %arg1: i32) -> (i32, i32) {
    %c0_i32 = arith.constant 0 : i32
    %c0_i32_0 = arith.constant 0 : i32
    %c0_i32_1 = arith.constant 0 : i32
    return %c0_i32, %c0_i32_0 : i32, i32
  }
  func.func @transform_3(%arg0: i32, %arg1: i32) -> (i32, i32) {
    %c0_i32 = arith.constant 0 : i32
    %c0_i32_0 = arith.constant 0 : i32
    return %arg0, %c0_i32 : i32, i32
  }
}

module attributes {stable_mosaic.version = 14 : i64} {
  func.func @_mm_taps_body(%arg0: i32, %arg1: i32, %arg2: memref<1x1x896x768xf32, #tpu.memory_space<vmem>>, %arg3: memref<1x768x256xf32, #tpu.memory_space<vmem>>, %arg4: memref<1x256xf32, #tpu.memory_space<vmem>>, %arg5: memref<896x256xf32, #tpu.memory_space<vmem>>) attributes {dimension_semantics = [#tpu.dimension_semantics<arbitrary>, #tpu.dimension_semantics<arbitrary>], iteration_bounds = array<i64: 7, 4>, scalar_prefetch = 0 : i64, scratch_operands = 0 : i64, tpu.core_type = #tpu.core_type<tc>, window_params = [{transform_indices = @transform_0, window_bounds = array<i64: 1, 1, 896, 768>}, {transform_indices = @transform_1, window_bounds = array<i64: 1, 768, 256>}, {pipeline_mode = #tpu.pipeline_mode<synchronous>, transform_indices = @transform_2, window_bounds = array<i64: 1, 256>}, {transform_indices = @transform_3, window_bounds = array<i64: 896, 256>}]} {
    %get3A = arith.constant 0 : index
    %get3A_0 = arith.constant 0 : index
    %get3A_1 = arith.constant 0 : index
    %get3A_2 = arith.constant 0 : index
    %get3A_3 = vector.load %arg2[%get3A, %get3A_0, %get3A_1, %get3A_2] : memref<1x1x896x768xf32, #tpu.memory_space<vmem>>, vector<1x1x896x768xf32>
    %get3A_4 = vector.shape_cast %get3A_3 : vector<1x1x896x768xf32> to vector<896x768xf32>
    %get3A_5 = arith.constant 0 : index
    %get3A_6 = arith.constant 0 : index
    %get3A_7 = arith.constant 0 : index
    %get3A_8 = vector.load %arg3[%get3A_5, %get3A_6, %get3A_7] : memref<1x768x256xf32, #tpu.memory_space<vmem>>, vector<1x768x256xf32>
    %get3A_9 = vector.shape_cast %get3A_8 : vector<1x768x256xf32> to vector<768x256xf32>
    %dot_general3A = arith.constant dense<0.000000e+00> : vector<896x256xf32>
    %dot_general3A_10 = tpu.matmul %get3A_4, %get3A_9, %dot_general3A {dimension_numbers = #tpu.dot_dimension_numbers<[1], [0], [0], [1], [0, 0, 1, 1], [], []>, transpose_lhs_hint = false} : vector<896x768xf32>, vector<768x256xf32>, vector<896x256xf32> -> vector<896x256xf32>
    %eq3A = arith.constant 0 : i32
    %eq3A_11 = arith.cmpi eq, %arg1, %eq3A : i32
    %convert_element_type3A = arith.extui %eq3A_11 : i1 to i32
    %cond3A = arith.constant 0 : i32
    %cond3A_12 = arith.cmpi ne, %convert_element_type3A, %cond3A : i32
    scf.if %cond3A_12 {
      %swap3A = arith.constant 0 : index
      %swap3A_22 = arith.constant 0 : index
      %swap3A_23 = vector.load %arg5[%swap3A, %swap3A_22] : memref<896x256xf32, #tpu.memory_space<vmem>>, vector<896x256xf32>
      tpu.vector_store %arg5[%swap3A, %swap3A_22], %dot_general3A_10 {strides = array<i32>} : memref<896x256xf32, #tpu.memory_space<vmem>>, vector<896x256xf32>,
    } else {
    }
    %gt3A = arith.constant 0 : i32
    %gt3A_13 = arith.cmpi sgt, %arg1, %gt3A : i32
    %convert_element_type3A_14 = arith.extui %gt3A_13 : i1 to i32
    %cond3A_15 = arith.constant 0 : i32
    %cond3A_16 = arith.cmpi ne, %convert_element_type3A_14, %cond3A_15 : i32
    scf.if %cond3A_16 {
      %get3A_22 = arith.constant 0 : index
      %get3A_23 = arith.constant 0 : index
      %get3A_24 = vector.load %arg5[%get3A_22, %get3A_23] : memref<896x256xf32, #tpu.memory_space<vmem>>, vector<896x256xf32>
      %add3A = arith.addf %get3A_24, %dot_general3A_10 : vector<896x256xf32>
      %swap3A = arith.constant 0 : index
      %swap3A_25 = arith.constant 0 : index
      %swap3A_26 = vector.load %arg5[%swap3A, %swap3A_25] : memref<896x256xf32, #tpu.memory_space<vmem>>, vector<896x256xf32>
      tpu.vector_store %arg5[%swap3A, %swap3A_25], %add3A {strides = array<i32>} : memref<896x256xf32, #tpu.memory_space<vmem>>, vector<896x256xf32>,
    } else {
    }
    %eq3A_17 = arith.constant 3 : i32
    %eq3A_18 = arith.cmpi eq, %arg1, %eq3A_17 : i32
    %convert_element_type3A_19 = arith.extui %eq3A_18 : i1 to i32
    %cond3A_20 = arith.constant 0 : i32
    %cond3A_21 = arith.cmpi ne, %convert_element_type3A_19, %cond3A_20 : i32
    scf.if %cond3A_21 {
      %get3A_22 = arith.constant 0 : index
      %get3A_23 = arith.constant 0 : index
      %get3A_24 = vector.load %arg5[%get3A_22, %get3A_23] : memref<896x256xf32, #tpu.memory_space<vmem>>, vector<896x256xf32>
      %get3A_25 = arith.constant 0 : index
      %get3A_26 = arith.constant 0 : index
      %get3A_27 = vector.load %arg4[%get3A_25, %get3A_26] : memref<1x256xf32, #tpu.memory_space<vmem>>, vector<1x256xf32>
      %add3A = vector.broadcast %get3A_27 : vector<1x256xf32> to vector<896x256xf32>
      %add3A_28 = arith.addf %get3A_24, %add3A : vector<896x256xf32>
      %swap3A = arith.constant 0 : index
      %swap3A_29 = arith.constant 0 : index
      %swap3A_30 = vector.load %arg5[%swap3A, %swap3A_29] : memref<896x256xf32, #tpu.memory_space<vmem>>, vector<896x256xf32>
      tpu.vector_store %arg5[%swap3A, %swap3A_29], %add3A_28 {strides = array<i32>} : memref<896x256xf32, #tpu.memory_space<vmem>>, vector<896x256xf32>,
    } else {
    }
    return
  }
  func.func @transform_0(%arg0: i32, %arg1: i32) -> (i32, i32, i32, i32) {
    %c0_i32 = arith.constant 0 : i32
    %c0_i32_0 = arith.constant 0 : i32
    %c0_i32_1 = arith.constant 0 : i32
    return %arg0, %arg1, %c0_i32, %c0_i32_0 : i32, i32, i32, i32
  }
  func.func @transform_1(%arg0: i32, %arg1: i32) -> (i32, i32, i32) {
    %c0_i32 = arith.constant 0 : i32
    %c0_i32_0 = arith.constant 0 : i32
    %c0_i32_1 = arith.constant 0 : i32
    return %arg1, %c0_i32, %c0_i32_0 : i32, i32, i32
  }
  func.func @transform_2(%arg0: i32, %arg1: i32) -> (i32, i32) {
    %c0_i32 = arith.constant 0 : i32
    %c0_i32_0 = arith.constant 0 : i32
    %c0_i32_1 = arith.constant 0 : i32
    return %c0_i32, %c0_i32_0 : i32, i32
  }
  func.func @transform_3(%arg0: i32, %arg1: i32) -> (i32, i32) {
    %c0_i32 = arith.constant 0 : i32
    %c0_i32_0 = arith.constant 0 : i32
    return %arg0, %c0_i32 : i32, i32
  }
}

module attributes {stable_mosaic.version = 14 : i64} {
  func.func @_vq_body(%arg0: i32, %arg1: memref<896x256xf32, #tpu.memory_space<vmem>>, %arg2: memref<256x1024xf32, #tpu.memory_space<vmem>>, %arg3: memref<1x1024xf32, #tpu.memory_space<vmem>>, %arg4: memref<896x1xi32, #tpu.memory_space<vmem>>) attributes {dimension_semantics = [#tpu.dimension_semantics<arbitrary>], iteration_bounds = array<i64: 7>, scalar_prefetch = 0 : i64, scratch_operands = 0 : i64, tpu.core_type = #tpu.core_type<tc>, window_params = [{transform_indices = @transform_0, window_bounds = array<i64: 896, 256>}, {pipeline_mode = #tpu.pipeline_mode<synchronous>, transform_indices = @transform_1, window_bounds = array<i64: 256, 1024>}, {pipeline_mode = #tpu.pipeline_mode<synchronous>, transform_indices = @transform_2, window_bounds = array<i64: 1, 1024>}, {transform_indices = @transform_3, window_bounds = array<i64: 896, 1>}]} {
    %get3A = arith.constant 0 : index
    %get3A_0 = arith.constant 0 : index
    %get3A_1 = vector.load %arg1[%get3A, %get3A_0] : memref<896x256xf32, #tpu.memory_space<vmem>>, vector<896x256xf32>
    %get3A_2 = arith.constant 0 : index
    %get3A_3 = arith.constant 0 : index
    %get3A_4 = vector.load %arg2[%get3A_2, %get3A_3] : memref<256x1024xf32, #tpu.memory_space<vmem>>, vector<256x1024xf32>
    %dot_general3A = arith.constant dense<0.000000e+00> : vector<896x1024xf32>
    %dot_general3A_5 = tpu.matmul %get3A_1, %get3A_4, %dot_general3A {dimension_numbers = #tpu.dot_dimension_numbers<[1], [0], [0], [1], [0, 0, 1, 1], [], []>, transpose_lhs_hint = false} : vector<896x256xf32>, vector<256x1024xf32>, vector<896x1024xf32> -> vector<896x1024xf32>
    %mul3A = arith.mulf %get3A_1, %get3A_1 : vector<896x256xf32>
    %reduce_sum3A = arith.constant dense<0.000000e+00> : vector<896xf32>
    %reduce_sum3A_6 = vector.multi_reduction <add>, %mul3A, %reduce_sum3A [1] : vector<896x256xf32> to vector<896xf32>
    %broadcast_in_dim3A = vector.shape_cast %reduce_sum3A_6 : vector<896xf32> to vector<896x1xf32>
    %mul3A_7 = arith.constant 2.000000e+00 : f32
    %mul3A_8 = vector.broadcast %mul3A_7 : f32 to vector<896x1024xf32>
    %mul3A_9 = arith.mulf %mul3A_8, %dot_general3A_5 : vector<896x1024xf32>
    %sub3A = vector.broadcast %broadcast_in_dim3A : vector<896x1xf32> to vector<896x1024xf32>
    %sub3A_10 = arith.subf %sub3A, %mul3A_9 : vector<896x1024xf32>
    %get3A_11 = arith.constant 0 : index
    %get3A_12 = arith.constant 0 : index
    %get3A_13 = vector.load %arg3[%get3A_11, %get3A_12] : memref<1x1024xf32, #tpu.memory_space<vmem>>, vector<1x1024xf32>
    %add3A = vector.broadcast %get3A_13 : vector<1x1024xf32> to vector<896x1024xf32>
    %add3A_14 = arith.addf %sub3A_10, %add3A : vector<896x1024xf32>
    %argmin3A = tpu.reduce_index %add3A_14 {axis = 1 : i32, kind = #tpu.reduction_kind<arg_min>} : vector<896x1024xf32> -> vector<896xi32>
    %broadcast_in_dim3A_15 = vector.shape_cast %argmin3A : vector<896xi32> to vector<896x1xi32>
    %swap3A = arith.constant 0 : index
    %swap3A_16 = arith.constant 0 : index
    %swap3A_17 = vector.load %arg4[%swap3A, %swap3A_16] : memref<896x1xi32, #tpu.memory_space<vmem>>, vector<896x1xi32>
    tpu.vector_store %arg4[%swap3A, %swap3A_16], %broadcast_in_dim3A_15 {strides = array<i32>} : memref<896x1xi32, #tpu.memory_space<vmem>>, vector<896x1xi32>,
    return
  }
  func.func @transform_0(%arg0: i32) -> (i32, i32) {
    %c0_i32 = arith.constant 0 : i32
    %c0_i32_0 = arith.constant 0 : i32
    return %arg0, %c0_i32 : i32, i32
  }
  func.func @transform_1(%arg0: i32) -> (i32, i32) {
    %c0_i32 = arith.constant 0 : i32
    %c0_i32_0 = arith.constant 0 : i32
    %c0_i32_1 = arith.constant 0 : i32
    return %c0_i32, %c0_i32_0 : i32, i32
  }
  func.func @transform_2(%arg0: i32) -> (i32, i32) {
    %c0_i32 = arith.constant 0 : i32
    %c0_i32_0 = arith.constant 0 : i32
    %c0_i32_1 = arith.constant 0 : i32
    return %c0_i32, %c0_i32_0 : i32, i32
  }
  func.func @transform_3(%arg0: i32) -> (i32, i32) {
    %c0_i32 = arith.constant 0 : i32
    %c0_i32_0 = arith.constant 0 : i32
    return %arg0, %c0_i32 : i32, i32
  }
}

module attributes {stable_mosaic.version = 14 : i64} {
  func.func @_mm4_body(%arg0: i32, %arg1: i32, %arg2: memref<1x896x1024xf32, #tpu.memory_space<vmem>>, %arg3: memref<1x1024x192xf32, #tpu.memory_space<vmem>>, %arg4: memref<1x192xf32, #tpu.memory_space<vmem>>, %arg5: memref<1x896x192xf32, #tpu.memory_space<vmem>>) attributes {dimension_semantics = [#tpu.dimension_semantics<arbitrary>, #tpu.dimension_semantics<arbitrary>], iteration_bounds = array<i64: 4, 7>, scalar_prefetch = 0 : i64, scratch_operands = 0 : i64, tpu.core_type = #tpu.core_type<tc>, window_params = [{transform_indices = @transform_0, window_bounds = array<i64: 1, 896, 1024>}, {transform_indices = @transform_1, window_bounds = array<i64: 1, 1024, 192>}, {pipeline_mode = #tpu.pipeline_mode<synchronous>, transform_indices = @transform_2, window_bounds = array<i64: 1, 192>}, {transform_indices = @transform_3, window_bounds = array<i64: 1, 896, 192>}]} {
    %get3A = arith.constant 0 : index
    %get3A_0 = arith.constant 0 : index
    %get3A_1 = arith.constant 0 : index
    %get3A_2 = vector.load %arg2[%get3A, %get3A_0, %get3A_1] : memref<1x896x1024xf32, #tpu.memory_space<vmem>>, vector<1x896x1024xf32>
    %get3A_3 = vector.shape_cast %get3A_2 : vector<1x896x1024xf32> to vector<896x1024xf32>
    %get3A_4 = arith.constant 0 : index
    %get3A_5 = arith.constant 0 : index
    %get3A_6 = arith.constant 0 : index
    %get3A_7 = vector.load %arg3[%get3A_4, %get3A_5, %get3A_6] : memref<1x1024x192xf32, #tpu.memory_space<vmem>>, vector<1x1024x192xf32>
    %get3A_8 = vector.shape_cast %get3A_7 : vector<1x1024x192xf32> to vector<1024x192xf32>
    %dot_general3A = arith.constant dense<0.000000e+00> : vector<896x192xf32>
    %dot_general3A_9 = tpu.matmul %get3A_3, %get3A_8, %dot_general3A {dimension_numbers = #tpu.dot_dimension_numbers<[1], [0], [0], [1], [0, 0, 1, 1], [], []>, transpose_lhs_hint = false} : vector<896x1024xf32>, vector<1024x192xf32>, vector<896x192xf32> -> vector<896x192xf32>
    %get3A_10 = arith.constant 0 : index
    %get3A_11 = arith.constant 0 : index
    %get3A_12 = vector.load %arg4[%get3A_10, %get3A_11] : memref<1x192xf32, #tpu.memory_space<vmem>>, vector<1x192xf32>
    %add3A = vector.broadcast %get3A_12 : vector<1x192xf32> to vector<896x192xf32>
    %add3A_13 = arith.addf %dot_general3A_9, %add3A : vector<896x192xf32>
    %max3A = arith.constant 0.000000e+00 : f32
    %max3A_14 = vector.broadcast %max3A : f32 to vector<896x192xf32>
    %max3A_15 = arith.maximumf %add3A_13, %max3A_14 : vector<896x192xf32>
    %swap3A = arith.constant 0 : index
    %swap3A_16 = arith.constant 0 : index
    %swap3A_17 = arith.constant 0 : index
    %swap3A_18 = vector.load %arg5[%swap3A, %swap3A_16, %swap3A_17] : memref<1x896x192xf32, #tpu.memory_space<vmem>>, vector<1x896x192xf32>
    %swap3A_19 = vector.shape_cast %swap3A_18 : vector<1x896x192xf32> to vector<896x192xf32>
    %swap3A_20 = vector.shape_cast %max3A_15 : vector<896x192xf32> to vector<1x896x192xf32>
    tpu.vector_store %arg5[%swap3A, %swap3A_16, %swap3A_17], %swap3A_20 {strides = array<i32>} : memref<1x896x192xf32, #tpu.memory_space<vmem>>, vector<1x896x192xf32>,
    return
  }
  func.func @transform_0(%arg0: i32, %arg1: i32) -> (i32, i32, i32) {
    %c0_i32 = arith.constant 0 : i32
    %c0_i32_0 = arith.constant 0 : i32
    return %arg0, %arg1, %c0_i32 : i32, i32, i32
  }
  func.func @transform_1(%arg0: i32, %arg1: i32) -> (i32, i32, i32) {
    %c0_i32 = arith.constant 0 : i32
    %c0_i32_0 = arith.constant 0 : i32
    %c0_i32_1 = arith.constant 0 : i32
    return %arg0, %c0_i32, %c0_i32_0 : i32, i32, i32
  }
  func.func @transform_2(%arg0: i32, %arg1: i32) -> (i32, i32) {
    %c0_i32 = arith.constant 0 : i32
    %c0_i32_0 = arith.constant 0 : i32
    %c0_i32_1 = arith.constant 0 : i32
    return %c0_i32, %c0_i32_0 : i32, i32
  }
  func.func @transform_3(%arg0: i32, %arg1: i32) -> (i32, i32, i32) {
    %c0_i32 = arith.constant 0 : i32
    %c0_i32_0 = arith.constant 0 : i32
    return %arg0, %arg1, %c0_i32 : i32, i32, i32
  }
}

module attributes {stable_mosaic.version = 14 : i64} {
  func.func @_mm4_body(%arg0: i32, %arg1: i32, %arg2: memref<1x896x768xf32, #tpu.memory_space<vmem>>, %arg3: memref<1x768x192xf32, #tpu.memory_space<vmem>>, %arg4: memref<1x192xf32, #tpu.memory_space<vmem>>, %arg5: memref<1x896x192xf32, #tpu.memory_space<vmem>>) attributes {dimension_semantics = [#tpu.dimension_semantics<arbitrary>, #tpu.dimension_semantics<arbitrary>], iteration_bounds = array<i64: 4, 28>, scalar_prefetch = 0 : i64, scratch_operands = 0 : i64, tpu.core_type = #tpu.core_type<tc>, window_params = [{transform_indices = @transform_0, window_bounds = array<i64: 1, 896, 768>}, {transform_indices = @transform_1, window_bounds = array<i64: 1, 768, 192>}, {pipeline_mode = #tpu.pipeline_mode<synchronous>, transform_indices = @transform_2, window_bounds = array<i64: 1, 192>}, {transform_indices = @transform_3, window_bounds = array<i64: 1, 896, 192>}]} {
    %get3A = arith.constant 0 : index
    %get3A_0 = arith.constant 0 : index
    %get3A_1 = arith.constant 0 : index
    %get3A_2 = vector.load %arg2[%get3A, %get3A_0, %get3A_1] : memref<1x896x768xf32, #tpu.memory_space<vmem>>, vector<1x896x768xf32>
    %get3A_3 = vector.shape_cast %get3A_2 : vector<1x896x768xf32> to vector<896x768xf32>
    %get3A_4 = arith.constant 0 : index
    %get3A_5 = arith.constant 0 : index
    %get3A_6 = arith.constant 0 : index
    %get3A_7 = vector.load %arg3[%get3A_4, %get3A_5, %get3A_6] : memref<1x768x192xf32, #tpu.memory_space<vmem>>, vector<1x768x192xf32>
    %get3A_8 = vector.shape_cast %get3A_7 : vector<1x768x192xf32> to vector<768x192xf32>
    %dot_general3A = arith.constant dense<0.000000e+00> : vector<896x192xf32>
    %dot_general3A_9 = tpu.matmul %get3A_3, %get3A_8, %dot_general3A {dimension_numbers = #tpu.dot_dimension_numbers<[1], [0], [0], [1], [0, 0, 1, 1], [], []>, transpose_lhs_hint = false} : vector<896x768xf32>, vector<768x192xf32>, vector<896x192xf32> -> vector<896x192xf32>
    %get3A_10 = arith.constant 0 : index
    %get3A_11 = arith.constant 0 : index
    %get3A_12 = vector.load %arg4[%get3A_10, %get3A_11] : memref<1x192xf32, #tpu.memory_space<vmem>>, vector<1x192xf32>
    %add3A = vector.broadcast %get3A_12 : vector<1x192xf32> to vector<896x192xf32>
    %add3A_13 = arith.addf %dot_general3A_9, %add3A : vector<896x192xf32>
    %max3A = arith.constant 0.000000e+00 : f32
    %max3A_14 = vector.broadcast %max3A : f32 to vector<896x192xf32>
    %max3A_15 = arith.maximumf %add3A_13, %max3A_14 : vector<896x192xf32>
    %swap3A = arith.constant 0 : index
    %swap3A_16 = arith.constant 0 : index
    %swap3A_17 = arith.constant 0 : index
    %swap3A_18 = vector.load %arg5[%swap3A, %swap3A_16, %swap3A_17] : memref<1x896x192xf32, #tpu.memory_space<vmem>>, vector<1x896x192xf32>
    %swap3A_19 = vector.shape_cast %swap3A_18 : vector<1x896x192xf32> to vector<896x192xf32>
    %swap3A_20 = vector.shape_cast %max3A_15 : vector<896x192xf32> to vector<1x896x192xf32>
    tpu.vector_store %arg5[%swap3A, %swap3A_16, %swap3A_17], %swap3A_20 {strides = array<i32>} : memref<1x896x192xf32, #tpu.memory_space<vmem>>, vector<1x896x192xf32>,
    return
  }
  func.func @transform_0(%arg0: i32, %arg1: i32) -> (i32, i32, i32) {
    %c0_i32 = arith.constant 0 : i32
    %c0_i32_0 = arith.constant 0 : i32
    return %arg0, %arg1, %c0_i32 : i32, i32, i32
  }
  func.func @transform_1(%arg0: i32, %arg1: i32) -> (i32, i32, i32) {
    %c0_i32 = arith.constant 0 : i32
    %c0_i32_0 = arith.constant 0 : i32
    %c0_i32_1 = arith.constant 0 : i32
    return %arg0, %c0_i32, %c0_i32_0 : i32, i32, i32
  }
  func.func @transform_2(%arg0: i32, %arg1: i32) -> (i32, i32) {
    %c0_i32 = arith.constant 0 : i32
    %c0_i32_0 = arith.constant 0 : i32
    %c0_i32_1 = arith.constant 0 : i32
    return %c0_i32, %c0_i32_0 : i32, i32
  }
  func.func @transform_3(%arg0: i32, %arg1: i32) -> (i32, i32, i32) {
    %c0_i32 = arith.constant 0 : i32
    %c0_i32_0 = arith.constant 0 : i32
    return %arg0, %arg1, %c0_i32 : i32, i32, i32
  }
}

module attributes {stable_mosaic.version = 14 : i64} {
  func.func @_sqsum_body(%arg0: i32, %arg1: memref<896x256xf32, #tpu.memory_space<vmem>>, %arg2: memref<896x256xf32, #tpu.memory_space<vmem>>, %arg3: memref<1x1xf32, #tpu.memory_space<vmem>>) attributes {dimension_semantics = [#tpu.dimension_semantics<arbitrary>], iteration_bounds = array<i64: 7>, scalar_prefetch = 0 : i64, scratch_operands = 0 : i64, tpu.core_type = #tpu.core_type<tc>, window_params = [{transform_indices = @transform_0, window_bounds = array<i64: 896, 256>}, {transform_indices = @transform_1, window_bounds = array<i64: 896, 256>}, {pipeline_mode = #tpu.pipeline_mode<synchronous>, transform_indices = @transform_2, window_bounds = array<i64: 1, 1>}]} {
    %eq3A = arith.constant 0 : i32
    %eq3A_0 = arith.cmpi eq, %arg0, %eq3A : i32
    %convert_element_type3A = arith.extui %eq3A_0 : i1 to i32
    %cond3A = arith.constant 0 : i32
    %cond3A_1 = arith.cmpi ne, %convert_element_type3A, %cond3A : i32
    scf.if %cond3A_1 {
      %broadcast_in_dim3A_16 = arith.constant 0.000000e+00 : f32
      %broadcast_in_dim3A_17 = vector.broadcast %broadcast_in_dim3A_16 : f32 to vector<1x1xf32>
      %swap3A_18 = arith.constant 0 : index
      %swap3A_19 = arith.constant 0 : index
      %swap3A_20 = vector.load %arg3[%swap3A_18, %swap3A_19] : memref<1x1xf32, #tpu.memory_space<vmem>>, vector<1x1xf32>
      tpu.vector_store %arg3[%swap3A_18, %swap3A_19], %broadcast_in_dim3A_17 {strides = array<i32>} : memref<1x1xf32, #tpu.memory_space<vmem>>, vector<1x1xf32>,
    } else {
    }
    %get3A = arith.constant 0 : index
    %get3A_2 = arith.constant 0 : index
    %get3A_3 = vector.load %arg1[%get3A, %get3A_2] : memref<896x256xf32, #tpu.memory_space<vmem>>, vector<896x256xf32>
    %get3A_4 = arith.constant 0 : index
    %get3A_5 = arith.constant 0 : index
    %get3A_6 = vector.load %arg2[%get3A_4, %get3A_5] : memref<896x256xf32, #tpu.memory_space<vmem>>, vector<896x256xf32>
    %sub3A = arith.subf %get3A_3, %get3A_6 : vector<896x256xf32>
    %get3A_7 = arith.constant 0 : index
    %get3A_8 = arith.constant 0 : index
    %get3A_9 = vector.load %arg3[%get3A_7, %get3A_8] : memref<1x1xf32, #tpu.memory_space<vmem>>, vector<1x1xf32>
    %mul3A = arith.mulf %sub3A, %sub3A : vector<896x256xf32>
    %reduce_sum3A = vector.shape_cast %mul3A : vector<896x256xf32> to vector<1x896x256xf32>
    %reduce_sum3A_10 = arith.constant dense<0.000000e+00> : vector<1xf32>
    %reduce_sum3A_11 = vector.multi_reduction <add>, %reduce_sum3A, %reduce_sum3A_10 [1, 2] : vector<1x896x256xf32> to vector<1xf32>
    %reduce_sum3A_12 = vector.shape_cast %reduce_sum3A_11 : vector<1xf32> to vector<1x1x1xf32>
    %reduce_sum3A_13 = vector.extract %reduce_sum3A_12[0, 0, 0] : f32 from vector<1x1x1xf32>
    %broadcast_in_dim3A = vector.broadcast %reduce_sum3A_13 : f32 to vector<1x1xf32>
    %add3A = arith.addf %get3A_9, %broadcast_in_dim3A : vector<1x1xf32>
    %swap3A = arith.constant 0 : index
    %swap3A_14 = arith.constant 0 : index
    %swap3A_15 = vector.load %arg3[%swap3A, %swap3A_14] : memref<1x1xf32, #tpu.memory_space<vmem>>, vector<1x1xf32>
    tpu.vector_store %arg3[%swap3A, %swap3A_14], %add3A {strides = array<i32>} : memref<1x1xf32, #tpu.memory_space<vmem>>, vector<1x1xf32>,
    return
  }
  func.func @transform_0(%arg0: i32) -> (i32, i32) {
    %c0_i32 = arith.constant 0 : i32
    %c0_i32_0 = arith.constant 0 : i32
    return %arg0, %c0_i32 : i32, i32
  }
  func.func @transform_1(%arg0: i32) -> (i32, i32) {
    %c0_i32 = arith.constant 0 : i32
    %c0_i32_0 = arith.constant 0 : i32
    return %arg0, %c0_i32 : i32, i32
  }
  func.func @transform_2(%arg0: i32) -> (i32, i32) {
    %c0_i32 = arith.constant 0 : i32
    %c0_i32_0 = arith.constant 0 : i32
    %c0_i32_1 = arith.constant 0 : i32
    return %c0_i32, %c0_i32_0 : i32, i32
  }
}

module attributes {stable_mosaic.version = 14 : i64} {
  func.func @_mm_body(%arg0: i32, %arg1: memref<1024x192xf32, #tpu.memory_space<vmem>>, %arg2: memref<192x48xf32, #tpu.memory_space<vmem>>, %arg3: memref<1x48xf32, #tpu.memory_space<vmem>>, %arg4: memref<1024x48xf32, #tpu.memory_space<vmem>>) attributes {dimension_semantics = [#tpu.dimension_semantics<arbitrary>], iteration_bounds = array<i64: 98>, scalar_prefetch = 0 : i64, scratch_operands = 0 : i64, tpu.core_type = #tpu.core_type<tc>, window_params = [{transform_indices = @transform_0, window_bounds = array<i64: 1024, 192>}, {pipeline_mode = #tpu.pipeline_mode<synchronous>, transform_indices = @transform_1, window_bounds = array<i64: 192, 48>}, {pipeline_mode = #tpu.pipeline_mode<synchronous>, transform_indices = @transform_2, window_bounds = array<i64: 1, 48>}, {transform_indices = @transform_3, window_bounds = array<i64: 1024, 48>}]} {
    %get3A = arith.constant 0 : index
    %get3A_0 = arith.constant 0 : index
    %get3A_1 = vector.load %arg1[%get3A, %get3A_0] : memref<1024x192xf32, #tpu.memory_space<vmem>>, vector<1024x192xf32>
    %get3A_2 = arith.constant 0 : index
    %get3A_3 = arith.constant 0 : index
    %get3A_4 = vector.load %arg2[%get3A_2, %get3A_3] : memref<192x48xf32, #tpu.memory_space<vmem>>, vector<192x48xf32>
    %dot_general3A = arith.constant dense<0.000000e+00> : vector<1024x48xf32>
    %dot_general3A_5 = tpu.matmul %get3A_1, %get3A_4, %dot_general3A {dimension_numbers = #tpu.dot_dimension_numbers<[1], [0], [0], [1], [0, 0, 1, 1], [], []>, transpose_lhs_hint = false} : vector<1024x192xf32>, vector<192x48xf32>, vector<1024x48xf32> -> vector<1024x48xf32>
    %get3A_6 = arith.constant 0 : index
    %get3A_7 = arith.constant 0 : index
    %get3A_8 = vector.load %arg3[%get3A_6, %get3A_7] : memref<1x48xf32, #tpu.memory_space<vmem>>, vector<1x48xf32>
    %add3A = vector.broadcast %get3A_8 : vector<1x48xf32> to vector<1024x48xf32>
    %add3A_9 = arith.addf %dot_general3A_5, %add3A : vector<1024x48xf32>
    %swap3A = arith.constant 0 : index
    %swap3A_10 = arith.constant 0 : index
    %swap3A_11 = vector.load %arg4[%swap3A, %swap3A_10] : memref<1024x48xf32, #tpu.memory_space<vmem>>, vector<1024x48xf32>
    tpu.vector_store %arg4[%swap3A, %swap3A_10], %add3A_9 {strides = array<i32>} : memref<1024x48xf32, #tpu.memory_space<vmem>>, vector<1024x48xf32>,
    return
  }
  func.func @transform_0(%arg0: i32) -> (i32, i32) {
    %c0_i32 = arith.constant 0 : i32
    %c0_i32_0 = arith.constant 0 : i32
    return %arg0, %c0_i32 : i32, i32
  }
  func.func @transform_1(%arg0: i32) -> (i32, i32) {
    %c0_i32 = arith.constant 0 : i32
    %c0_i32_0 = arith.constant 0 : i32
    %c0_i32_1 = arith.constant 0 : i32
    return %c0_i32, %c0_i32_0 : i32, i32
  }
  func.func @transform_2(%arg0: i32) -> (i32, i32) {
    %c0_i32 = arith.constant 0 : i32
    %c0_i32_0 = arith.constant 0 : i32
    %c0_i32_1 = arith.constant 0 : i32
    return %c0_i32, %c0_i32_0 : i32, i32
  }
  func.func @transform_3(%arg0: i32) -> (i32, i32) {
    %c0_i32 = arith.constant 0 : i32
    %c0_i32_0 = arith.constant 0 : i32
    return %arg0, %c0_i32 : i32, i32
  }
}

module attributes {stable_mosaic.version = 14 : i64} {
  func.func @_sqsum_body(%arg0: i32, %arg1: memref<896x224xf32, #tpu.memory_space<vmem>>, %arg2: memref<896x224xf32, #tpu.memory_space<vmem>>, %arg3: memref<1x1xf32, #tpu.memory_space<vmem>>) attributes {dimension_semantics = [#tpu.dimension_semantics<arbitrary>], iteration_bounds = array<i64: 6>, scalar_prefetch = 0 : i64, scratch_operands = 0 : i64, tpu.core_type = #tpu.core_type<tc>, window_params = [{transform_indices = @transform_0, window_bounds = array<i64: 896, 224>}, {transform_indices = @transform_1, window_bounds = array<i64: 896, 224>}, {pipeline_mode = #tpu.pipeline_mode<synchronous>, transform_indices = @transform_2, window_bounds = array<i64: 1, 1>}]} {
    %eq3A = arith.constant 0 : i32
    %eq3A_0 = arith.cmpi eq, %arg0, %eq3A : i32
    %convert_element_type3A = arith.extui %eq3A_0 : i1 to i32
    %cond3A = arith.constant 0 : i32
    %cond3A_1 = arith.cmpi ne, %convert_element_type3A, %cond3A : i32
    scf.if %cond3A_1 {
      %broadcast_in_dim3A_16 = arith.constant 0.000000e+00 : f32
      %broadcast_in_dim3A_17 = vector.broadcast %broadcast_in_dim3A_16 : f32 to vector<1x1xf32>
      %swap3A_18 = arith.constant 0 : index
      %swap3A_19 = arith.constant 0 : index
      %swap3A_20 = vector.load %arg3[%swap3A_18, %swap3A_19] : memref<1x1xf32, #tpu.memory_space<vmem>>, vector<1x1xf32>
      tpu.vector_store %arg3[%swap3A_18, %swap3A_19], %broadcast_in_dim3A_17 {strides = array<i32>} : memref<1x1xf32, #tpu.memory_space<vmem>>, vector<1x1xf32>,
    } else {
    }
    %get3A = arith.constant 0 : index
    %get3A_2 = arith.constant 0 : index
    %get3A_3 = vector.load %arg1[%get3A, %get3A_2] : memref<896x224xf32, #tpu.memory_space<vmem>>, vector<896x224xf32>
    %get3A_4 = arith.constant 0 : index
    %get3A_5 = arith.constant 0 : index
    %get3A_6 = vector.load %arg2[%get3A_4, %get3A_5] : memref<896x224xf32, #tpu.memory_space<vmem>>, vector<896x224xf32>
    %sub3A = arith.subf %get3A_3, %get3A_6 : vector<896x224xf32>
    %get3A_7 = arith.constant 0 : index
    %get3A_8 = arith.constant 0 : index
    %get3A_9 = vector.load %arg3[%get3A_7, %get3A_8] : memref<1x1xf32, #tpu.memory_space<vmem>>, vector<1x1xf32>
    %mul3A = arith.mulf %sub3A, %sub3A : vector<896x224xf32>
    %reduce_sum3A = vector.shape_cast %mul3A : vector<896x224xf32> to vector<1x896x224xf32>
    %reduce_sum3A_10 = arith.constant dense<0.000000e+00> : vector<1xf32>
    %reduce_sum3A_11 = vector.multi_reduction <add>, %reduce_sum3A, %reduce_sum3A_10 [1, 2] : vector<1x896x224xf32> to vector<1xf32>
    %reduce_sum3A_12 = vector.shape_cast %reduce_sum3A_11 : vector<1xf32> to vector<1x1x1xf32>
    %reduce_sum3A_13 = vector.extract %reduce_sum3A_12[0, 0, 0] : f32 from vector<1x1x1xf32>
    %broadcast_in_dim3A = vector.broadcast %reduce_sum3A_13 : f32 to vector<1x1xf32>
    %add3A = arith.addf %get3A_9, %broadcast_in_dim3A : vector<1x1xf32>
    %swap3A = arith.constant 0 : index
    %swap3A_14 = arith.constant 0 : index
    %swap3A_15 = vector.load %arg3[%swap3A, %swap3A_14] : memref<1x1xf32, #tpu.memory_space<vmem>>, vector<1x1xf32>
    tpu.vector_store %arg3[%swap3A, %swap3A_14], %add3A {strides = array<i32>} : memref<1x1xf32, #tpu.memory_space<vmem>>, vector<1x1xf32>,
    return
  }
  func.func @transform_0(%arg0: i32) -> (i32, i32) {
    %c0_i32 = arith.constant 0 : i32
    %c0_i32_0 = arith.constant 0 : i32
    return %arg0, %c0_i32 : i32, i32
  }
  func.func @transform_1(%arg0: i32) -> (i32, i32) {
    %c0_i32 = arith.constant 0 : i32
    %c0_i32_0 = arith.constant 0 : i32
    return %arg0, %c0_i32 : i32, i32
  }
  func.func @transform_2(%arg0: i32) -> (i32, i32) {
    %c0_i32 = arith.constant 0 : i32
    %c0_i32_0 = arith.constant 0 : i32
    %c0_i32_1 = arith.constant 0 : i32
    return %c0_i32, %c0_i32_0 : i32, i32
  }
}

</mosaic_0001>

<sc_bundles>
// kernel: kernel.12.cloned.1.call-start
scs
__scs_entry_jumppad:
0x0: {  	(pc) =	sbr.rel $0x88, $3  }
0x1: {  	(tag) =	ssettag $0x0;
	lr =	simm.s32 $0x1  }
0x2: {  	[smem:$0x3F92] =	sst lr;
	_ =	strace $0xD0000000  }
0x3: {  	_ = 	snop  }
0x4: {  	_ = 	snop  }
0x5: {  	_ = 	snop  }
0x6: {  	_ = 	snop  }
0x7: {  	_ = 	snop  }
__scs_overlays_trampoline_lowered:
0x8: {  	[smem:$0x3FA1] =	sst s0  }
0x9: {  	[smem:$0x3FA2] =	sst s1  }
0xa: {  	[smem:$0x3FA3] =	sst s2  }
0xb: {  	[smem:$0x3FA4] =	sst s3  }
0xc: {  	[smem:$0x3FA5] =	sst s4  }
0xd: {  	[smem:$0x3FA6] =	sst s5  }
0xe: {  	[smem:$0x3FA7] =	sst s6  }
0xf: {  	[smem:$0x3FA8] =	sst s7  }
0x10: {  	[smem:$0x3FA9] =	sst s8  }
0x11: {  	[smem:$0x3FAA] =	sst s9;
	s0 =	simm.s32 @!p0 $0x0  }
0x12: {  	s1 =	sld [smem:$0x3F90];
	s0 =	simm.s32 @p0 $0x1  }
0x13: {  	[smem:$0x3FAB] =	sst s0;
	s0 =	simm.s32 @!p1 $0x0  }
0x14: {  	s2 =	sld [smem:$0x3F8F];
	s0 =	simm.s32 @p1 $0x1  }
0x15: {  	[smem:$0x3FAC] =	sst s0;
	s0 =	simm.s32 @!p2 $0x0  }
0x16: {  	s3 =	sld [smem:$0x3FDB];
	s0 =	simm.s32 @p2 $0x1  }
0x17: {  	s4 =	simm.s32 $0x1BF5;
	[smem:$0x3FAE] =	sst s0  }
0x18: {  	s0 =	sld [smem:$0x3F91];
	_ =	swait.ge [sflag:s4], $0x0  }
0x19: {  	s7 =	sld [smem:$0x3F92]  }
0x1a: {  	s8 =	sadd.s32 $0xFFFFE003, lr  }
0x1b: {  	s9 =	sadd.s32 $0xFFFFFEF7, lr;
	s5 =	simm.s32 $0xFFFFFFFF;
	p2 =	slt.u32 s8, $0xFFFFF086  }
0x1c: {  	p1 =	slt.u32 s9, $0xF7A;
	s5 =	simm.s32 @!p2 $0x0  }
0x1d: {  	s5 =	simm.s32 @p1 $0x1;
	p0 =	seq.s32 s7, s2  }
0x1e: {  	s7 =	smul.u32 @!p0 $0xF7A, s2;
	p2 =	seq.s32 @!p0 s5, $0x0  }
0x1f: {  	s9 =	smul.u32 $0xF7A, s1;
	s8 =	simm.s32 @!p0 $0x1BF5;
	p2 =	por !p2, p0  }
0x20: {  	[sflag:s8] =	ssyncset.s32 @!p0 $0xFFFFF086;
	s6 =	sadd.s32 @!p0 s3, s7;
	s7 =	simm.s32 @!p0 $0x108  }
0x21: {  	s3 =	sadd.s32 s3, s9;
	s6 =	sadd.s32 @!p0 $0x88, s6;
	s7 =	simm.s32 @p2 $0x1082  }
0x22: {  	[simem:s7], [sflag:s8] =	dma.local @!p0 [hbm:s6], $0xF7A  }
0x23: {  	s9 =	sor.u32 $0xD0000000, s2;
	s6 =	simm.s32 $0x108;
	_ =	swait.ge @!p0 [sflag:s8], $0x0  }
0x24: {  	s3 =	sadd.s32 $0x88, s3;
	s6 =	simm.s32 @!p1 $0x1082;
	[sflag:s4] =	ssyncset.s32 $0xFFFFF086  }
0x25: {  	[simem:s6], [sflag:s4] =	dma.local [hbm:s3], $0xF7A  }
0x26: {  	[smem:$0x3F92] =	sst s1;
	(tag) =	ssettag s2;
	_ =	strace s9  }
0x27: {  	s1 =	sld [smem:$0x3FA2]  }
0x28: {  	s2 =	sld [smem:$0x3FA3]  }
0x29: {  	s4 =	sld [smem:$0x3FA5]  }
0x2a: {  	p0 =	seq.s32 s5, $0x0;
	s5 =	sld [smem:$0x3FA6]  }
0x2b: {  	s6 =	sld [smem:$0x3FA7]  }
0x2c: {  	s7 =	sld [smem:$0x3FA8]  }
0x2d: {  	s3 =	simm.s32 $0x108;
	s8 =	sld [smem:$0x3FA9]  }
0x2e: {  	s3 =	simm.s32 @!p0 $0x1082;
	s9 =	sld [smem:$0x3FAA]  }
0x2f: {  	lr =	sadd.s32 s0, s3;
	s0 =	sld [smem:$0x3FA1]  }
0x30: {  	s3 =	sld [smem:$0x3FA4]  }
0x31: {  	[smem:$0x3FAD] =	sst s10  }
0x32: {  	s10 =	sld [smem:$0x3FAB];
	_ =	sdelay $0x3  }
0x33: {  	p0 =	seq.s32 s10, $0x1;
	s10 =	sld [smem:$0x3FAD];
	_ =	sdelay $0x3  }
0x34: {  	[smem:$0x3FAD] =	sst s10  }
0x35: {  	s10 =	sld [smem:$0x3FAC];
	_ =	sdelay $0x3  }
0x36: {  	p1 =	seq.s32 s10, $0x1;
	s10 =	sld [smem:$0x3FAD];
	_ =	sdelay $0x3  }
0x37: {  	[smem:$0x3FAD] =	sst s10  }
0x38: {  	s10 =	sld [smem:$0x3FAE]  }
0x39: {  	_ = 	snop;
	(pc) =	sbr.ind lr, $3  }
0x3a: {  	_ = 	snop  }
0x3b: {  	_ = 	snop  }
0x3c: {  	p2 =	seq.s32 s10, $0x1;
	s10 =	sld [smem:$0x3FAD]  }
0x3d: {  	_ =	shalt  }
0x3e: {  	_ =	shalt  }
0x3f: {  	_ =	shalt  }
0x40: {  	_ =	shalt  }
0x41: {  	_ =	shalt  }
0x42: {  	_ =	shalt  }
0x43: {  	_ =	shalt  }
0x44: {  	_ =	shalt  }
0x45: {  	_ =	shalt  }
0x46: {  	_ =	shalt  }
0x47: {  	_ =	shalt  }
0x48: {  	_ =	shalt  }
0x49: {  	_ =	shalt  }
0x4a: {  	_ =	shalt  }
0x4b: {  	_ =	shalt  }
0x4c: {  	_ =	shalt  }
0x4d: {  	_ =	shalt  }
0x4e: {  	_ =	shalt  }
0x4f: {  	_ =	shalt  }
0x50: {  	_ =	shalt  }
0x51: {  	_ =	shalt  }
0x52: {  	_ =	shalt  }
0x53: {  	_ =	shalt  }
0x54: {  	_ =	shalt  }
0x55: {  	_ =	shalt  }
0x56: {  	_ =	shalt  }
0x57: {  	_ =	shalt  }
0x58: {  	_ =	shalt  }
0x59: {  	_ =	shalt  }
0x5a: {  	_ =	shalt  }
0x5b: {  	_ =	shalt  }
0x5c: {  	_ =	shalt  }
0x5d: {  	_ =	shalt  }
0x5e: {  	_ =	shalt  }
0x5f: {  	_ =	shalt  }
0x60: {  	_ =	shalt  }
0x61: {  	_ =	shalt  }
0x62: {  	_ =	shalt  }
0x63: {  	_ =	shalt  }
0x64: {  	_ =	shalt  }
0x65: {  	_ =	shalt  }
0x66: {  	_ =	shalt  }
0x67: {  	_ =	shalt  }
0x68: {  	_ =	shalt  }
0x69: {  	_ =	shalt  }
0x6a: {  	_ =	shalt  }
0x6b: {  	_ =	shalt  }
0x6c: {  	_ =	shalt  }
0x6d: {  	_ =	shalt  }
0x6e: {  	_ =	shalt  }
0x6f: {  	_ =	shalt  }
0x70: {  	_ =	shalt  }
0x71: {  	_ =	shalt  }
0x72: {  	_ =	shalt  }
0x73: {  	_ =	shalt  }
0x74: {  	_ =	shalt  }
0x75: {  	_ =	shalt  }
0x76: {  	_ =	shalt  }
0x77: {  	_ =	shalt  }
0x78: {  	_ =	shalt  }
0x79: {  	_ =	shalt  }
0x7a: {  	_ =	shalt  }
0x7b: {  	_ =	shalt  }
0x7c: {  	_ =	shalt  }
0x7d: {  	_ =	shalt  }
0x7e: {  	_ =	shalt  }
0x7f: {  	_ =	shalt  }
0x80: {  	_ =	shalt  }
0x81: {  	_ =	shalt  }
0x82: {  	_ =	shalt  }
0x83: {  	_ =	shalt  }
0x84: {  	_ =	shalt  }
0x85: {  	_ =	shalt  }
0x86: {  	_ =	shalt  }
0x87: {  	_ =	shalt  }
.Lfunc_end0:
.L_simem_size_0:
called_computation.4_lowered:
.L_overlay_start_0:
0x88: {  	s2 =	sld [smem:$0x3FD9]  }
0x89: {  	s3 =	sld [smem:$0x3FFE];
	_ =	sdelay $0x1  }
0x8a: {  	s1 =	srdreg.scid  }
0x8b: {  	s0 =	sand.u32 $0x1, s1  }
0x8c: {  	s17 =	sshll.u32 s0, $0xA;
	s2 =	sadd.s32 s3, s2  }
0x8d: {  	s2 =	sadd.s32 s2, s17  }
0x8e: {  	[smem:$0x3FB9] =	sst s2  }
0x8f: {  	_ = 	snop  }
0x90: {  	s2 =	sld [smem:$0x3FC7];
	(tm) =	ssettm $0x1  }
0x91: {  	s18 =	sld [smem:$0x3FFB];
	_ =	sdelay $0x3  }
0x92: {  	_ =	strace s18  }
0x93: {  	s3 =	sld [smem:$0x3FFC];
	_ =	sdelay $0x3  }
0x94: {  	_ =	strace s3  }
0x95: {  	s3 =	sld [smem:$0x3FFD];
	_ =	sdelay $0x3  }
0x96: {  	_ =	strace s3  }
0x97: {  	_ =	strace $0x8FFFFFFF  }
0x98: {  	s19 =	sld [smem:$0x3FDB];
	_ =	sdelay $0x1  }
0x99: {  	s4 =	simm.s32 $_scs_section_size  }
0x9a: {  	s5 =	simm.s32 $_size__tile_overlayer_lowered;
	s6 =	simm.s32 $_tile_overlayer_lowered  }
0x9b: {  	s22 =	simm.s32 $0x1BFF;
	s21 =	sshll.u32 s6, $0x1;
	s3 =	sadd.s32 s4, s19  }
0x9c: {  	s7 =	simm.s32 $0x0;
	s20 =	sshll.u32 s5, $0x1;
	s5 =	sadd.s32 s21, s3  }
0x9d: {  	[timem:s7], [sflag:s22] =	dma.local [hbm:s5], s20  }
0x9e: {  	_ =	swait.ge [sflag:s22], s20  }
0x9f: {  	s4 =	ssub.s32 $0x0, s20;
	[sflag:s22] =	ssyncset.done $0x0  }
0xa0: {  	[sflag:s22] =	ssyncadd.s32 s4;
	_ =	sdelay $0x1  }
0xa1: {  	s23 =	simm.s32 $0x1B8B  }
0xa2: {  	_ =	swait.ge [sflag:s23], $0x1  }
0xa3: {  	[sflag:s23] =	ssyncset.done $0x0  }
0xa4: {  	s25 =	simm.s32 $0x1B8E;
	s24 =	sld [smem:$0x3FFE];
	[sflag:s23] =	ssyncadd.s32 $0xFFFFFFFF  }
0xa5: {  	s26 =	simm.s32 $execute0_lowered;
	[smem:$0x3FD2] =	sst s25  }
0xa6: {  	s5 =	sshll.u32 s26, $0x1;
	_ =	strace $0x8000004F;
	[dreg:$0x1] =	wrdreg $0xFFFFFFFF  }
0xa7: {  	s28 =	simm.s32 $_size_execute0_lowered;
	s3 =	sadd.s32 s3, s5;
	[dreg:$0x0] =	wrdreg $0x0  }
0xa8: {  	s5 =	sshll.u32 s28, $0x1;
	[dreg:$0x2] =	wrdreg s3  }
0xa9: {  	[dreg:$0x3] =	wrdreg s5  }
0xaa: {  	[dreg:$0x4] =	wrdreg $0xC0  }
0xab: {  	_ =	task [dreg:s7], $0x5FFFF  }
0xac: {  	[dreg:$0x1] =	wrdreg $0xFFFFFFFF  }
0xad: {  	[dreg:$0x0] =	wrdreg $0x60  }
0xae: {  	[dreg:$0x2] =	wrdreg s2  }
0xaf: {  	[dreg:$0x3] =	wrdreg s24  }
0xb0: {  	[dreg:$0x4] =	wrdreg $0x9  }
0xb1: {  	_ =	task.clear_ibuf [dreg:s7], $0x5FFFF;
	_ =	strace $0x9000004F  }
0xb2: {  	s29 =	simm.s32 $0x9;
	_ =	strace $0x80000058  }
0xb3: {  	_ =	swait.ge [sflag:s29], $0x1  }
0xb4: {  	[sflag:s29] =	ssyncadd.s32 $0xFFFFFFFF  }
0xb5: {  	_ =	strace $0x90000058  }
0xb6: {  	_ =	sfence  }
0xb7: {  	s30 =	sld [smem:$0x0];
	_ =	sdelay $0x2  }
0xb8: {  	s31 =	sshll.u32 s1, $0xD;
	s1 =	sshrl.u32 s1, $0x2  }
0xb9: {  	s3 =	sand.u32 $0x4000, s31;
	s1 =	sadd.s32 s1, s30  }
0xba: {  	s0 =	sor.u32 s3, s0;
	s1 =	sshll.u32 s1, $0x11  }
0xbb: {  	s0 =	sor.u32 s1, s0  }
0xbc: {  	s0 =	sadd.s32 $0x8F2B, s0  }
0xbd: {  	[sflag:s0] =	ssyncadd.remote.s32 $0x1  }
0xbe: {  	_ =	sfence.sel $0xFFFF  }
0xbf: {  	[dreg:$0x0] =	wrdreg $0xFFFFFFFF;
	(pc) =	sbr.abs _section_cstart, $3  }
0xc0: {  	[dreg:$0x1] =	wrdreg $0xFFFFFFFF  }
0xc1: {  	_ =	task.clear_ibuf [dreg:s7], $0x2FFFF;
	_ =	strace $0x9FFFFFFF  }
0xc2: {  	(tm) =	ssettm $0x7FFFFFFF  }
0xc3: {  	_ =	shalt  }
tec
execute0_lowered:
.L_overlay_start_1:
0x0: {  	(tag) =	ssettag $0x1  }
0x1: {  	s1 =	rddreg [dreg:$0x0]  }
0x2: {  	s4 =	rddreg [dreg:$0x1]  }
0x3: {  	s0 =	rddreg [dreg:$0x2]  }
0x4: {  	s3 =	simm.s32 $0x0;
	s2 =	stileid.u32;
	s31 =	srdreg.scid  }
0x5: {  	s11 =	simm.s32 $0x0;
	[smem:$0x7FF] =	sst s3;
	s5 =	sadd.s32 $0x3AA00, s4  }
0x6: {  	s6 =	smul.u32 $0x3, s2;
	s4 =	sadd.s32 $0x3A600, s4;
	s7 =	sand.u32 $0x1, s31  }
0x7: {  	p0 =	seq.s32 s2, $0x0;
	_ =	strace $0x80000050;
	[dreg:$0x3] =	wrdreg s5  }
0x8: {  	s7 =	ssub.s32 $0x2, s7;
	s5 =	sadd.s32 $0x1, s6;
	s6 =	simm.s32 $0x4  }
0x9: {  	v2 =	vlaneseq.u32;
	s8 =	sshrl.u32 s7, $0x1;
	s5 =	simm.s32 @p0 $0x0;
	s6 =	simm.s32 @!p0 $0x3  }
0xa: {  	vm0 =	vmmov $0xffff;
	v1 =	vshrl.u32 v2, $0x3;
	s10 =	ssub.s32 s7, s8;
	s9 =	sshll.u32 s5, $0x4;
	s8 =	sadd.s32 $0xFFFFFFFF, s6  }
0xb: {  	v0 =	vand.u32 $0x7, v2;
	v2 =	vor.u32 $0x8, v2;
	v1 =	vmul.u32 $0x8, v1;
	s7 =	sadd.s32 s4, s9;
	s9 =	smax.u32 s10, $0x1;
	s10 =	simm.s32 $0x5  }
.LBB2_1:
0xc: {  	_ =	strace $0x80000051;
	s13 =	simm.s32 $0x0  }
0xd: {  	s12 =	simm.s32 $0x0;
	s14 =	simm.s32 $0x0;
	s15 =	simm.s32 $0x0  }
0xe: {  	[tilespmem:s3], [sflag:$0x1] =	stream.linear.gather [hbm4b:s7+s3], $0x80, $0x200038;
	[tilespmem:$0x10100] =	vst v63  }
0xf: {  	s16 =	simm.s32 $0x1;
	s17 =	simm.s32 $0x0;
	_ =	strace $0x90000051  }
.LBB2_2:
0x10: {  	s18 =	smov.u32 s13;
	s13 =	sadd.s32 $0x1, s13  }
0x11: {  	p0 =	seq.s32 s13, s6  }
0x12: {  	s13 =	simm.s32 @p0 $0x0  }
0x13: {  	p6 =	slt.s32 s17, s8;
	p1 =	sne.s32 s18, s13  }
0x14: {  	p0 =	por !p6, !p1  }
0x15: {  	p0 =	por !p0, !p0  }
0x16: {  	s19 =	sadd.s32 @p0 s5, s13  }
0x17: {  	s20 =	sand.u32 @p0 $0x1, s16;
	s19 =	sshll.u32 @p0 s19, $0x4  }
0x18: {  	_ =	strace @p0 $0x80000052;
	s22 =	simm.s32 @p0 $0x0;
	s19 =	sand.u32 @p0 $0x1FFFFFF0, s19  }
0x19: {  	s21 =	sshll.u32 @p0 s20, $0x7;
	s20 =	sadd.s32 @p0 $0x1, s20;
	s19 =	sadd.s32 @p0 s4, s19  }
0x1a: {  	[tilespmem:s21], [sflag:s20] =	stream.linear.gather @p0 [hbm4b:s19+s22], $0x80, $0x200038;
	[tilespmem:$0x10100] =	vst v63  }
0x1b: {  	s23 =	sand.u32 $0x1, s15;
	_ =	strace @p0 $0x90000052  }
0x1c: {  	s19 =	sadd.s32 $0x1, s23;
	_ =	strace $0x80000053  }
0x1d: {  	_ =	swait.ge [sflag:s19], $0x80  }
0x1e: {  	[sflag:s19] =	ssyncset.done $0x0  }
0x1f: {  	[sflag:s19] =	ssyncadd.s32 $0xFFFFFF80  }
0x20: {  	s24 =	sshll.u32 s15, $0x7;
	_ =	strace $0x90000053  }
0x21: {  	s22 =	sand.u32 $0x80, s24;
	_ =	strace $0x80000054  }
0x22: {  	v3 =	vld [tilespmem:s22+$0x0];
	_ =	sdelay $0x4  }
0x23: {  	v4 =	vshll.u32 v3, $0x1  }
0x24: {  	v3 =	vand.u32 $0x7, v3;
	v4 =	vand.u32 $0xFFFFFFF0, v4  }
0x25: {  	v3 =	vor.u32 v3, v4  }
0x26: {  	v4 =	vperm.xlane v3, v0;
	_ =	sdelay $0x1  }
0x27: {  	v3 =	vperm.xlane v3, v2;
	v4 =	vadd.s32 v1, v4;
	_ =	sdelay $0x1  }
0x28: {  	s19 =	sand.u32 $0x1, s14;
	v3 =	vadd.s32 v1, v3  }
0x29: {  	s21 =	sshll.u32 s19, $0xF  }
0x2a: {  	s20 =	sor.u32 $0x100, s21  }
0x2b: {  	[tilespmem:s20], [sflag:$0x5] =	stream.indirect_vreg.gather [hbm4b:s1+s3], $0x80, v4, vm0, $0x2000b8;
	[tilespmem:$0x10100] =	vst v63  }
0x2c: {  	s23 =	sor.u32 $0x900, s21  }
0x2d: {  	[tilespmem:s23], [sflag:$0x5] =	stream.indirect_vreg.gather [hbm4b:s1+s3], $0x80, v3, vm0, $0x2000b8;
	[tilespmem:$0x10100] =	vst v63  }
0x2e: {  	v3 =	vld [tilespmem:s22+$0x10];
	_ =	sdelay $0x4  }
0x2f: {  	v57 =	vshll.u32 v3, $0x1  }
0x30: {  	v3 =	vand.u32 $0x7, v3;
	v4 =	vand.u32 $0xFFFFFFF0, v57  }
0x31: {  	v3 =	vor.u32 v3, v4  }
0x32: {  	v4 =	vperm.xlane v3, v0;
	_ =	sdelay $0x1  }
0x33: {  	v3 =	vperm.xlane v3, v2;
	v4 =	vadd.s32 v1, v4;
	_ =	sdelay $0x1  }
0x34: {  	v3 =	vadd.s32 v1, v3;
	_ =	sdelay $0x1  }
0x35: {  	s25 =	sor.u32 $0x1100, s21  }
0x36: {  	[tilespmem:s25], [sflag:$0x5] =	stream.indirect_vreg.gather [hbm4b:s1+s3], $0x80, v4, vm0, $0x2000b8;
	[tilespmem:$0x10100] =	vst v63  }
0x37: {  	s26 =	sor.u32 $0x1900, s21  }
0x38: {  	[tilespmem:s26], [sflag:$0x5] =	stream.indirect_vreg.gather [hbm4b:s1+s3], $0x80, v3, vm0, $0x2000b8;
	[tilespmem:$0x10100] =	vst v63  }
0x39: {  	v3 =	vld [tilespmem:s22+$0x20];
	_ =	sdelay $0x4  }
0x3a: {  	v58 =	vshll.u32 v3, $0x1  }
0x3b: {  	v3 =	vand.u32 $0x7, v3;
	v4 =	vand.u32 $0xFFFFFFF0, v58  }
0x3c: {  	v3 =	vor.u32 v3, v4  }
0x3d: {  	v4 =	vperm.xlane v3, v0;
	_ =	sdelay $0x1  }
0x3e: {  	v3 =	vperm.xlane v3, v2;
	v4 =	vadd.s32 v1, v4;
	_ =	sdelay $0x1  }
0x3f: {  	v3 =	vadd.s32 v1, v3;
	_ =	sdelay $0x1  }
0x40: {  	s28 =	sor.u32 $0x2100, s21  }
0x41: {  	[tilespmem:s28], [sflag:$0x5] =	stream.indirect_vreg.gather [hbm4b:s1+s3], $0x80, v4, vm0, $0x2000b8;
	[tilespmem:$0x10100] =	vst v63  }
0x42: {  	s29 =	sor.u32 $0x2900, s21  }
0x43: {  	[tilespmem:s29], [sflag:$0x5] =	stream.indirect_vreg.gather [hbm4b:s1+s3], $0x80, v3, vm0, $0x2000b8;
	[tilespmem:$0x10100] =	vst v63  }
0x44: {  	v3 =	vld [tilespmem:s22+$0x30];
	_ =	sdelay $0x4  }
0x45: {  	v59 =	vshll.u32 v3, $0x1  }
0x46: {  	v3 =	vand.u32 $0x7, v3;
	v4 =	vand.u32 $0xFFFFFFF0, v59  }
0x47: {  	v3 =	vor.u32 v3, v4  }
0x48: {  	v4 =	vperm.xlane v3, v0;
	_ =	sdelay $0x1  }
0x49: {  	v3 =	vperm.xlane v3, v2;
	v4 =	vadd.s32 v1, v4;
	_ =	sdelay $0x1  }
0x4a: {  	v3 =	vadd.s32 v1, v3;
	_ =	sdelay $0x1  }
0x4b: {  	s30 =	sor.u32 $0x3100, s21  }
0x4c: {  	[tilespmem:s30], [sflag:$0x5] =	stream.indirect_vreg.gather [hbm4b:s1+s3], $0x80, v4, vm0, $0x2000b8;
	[tilespmem:$0x10100] =	vst v63  }
0x4d: {  	s31 =	sor.u32 $0x3900, s21  }
0x4e: {  	[tilespmem:s31], [sflag:$0x5] =	stream.indirect_vreg.gather [hbm4b:s1+s3], $0x80, v3, vm0, $0x2000b8;
	[tilespmem:$0x10100] =	vst v63  }
0x4f: {  	v3 =	vld [tilespmem:s22+$0x40];
	_ =	sdelay $0x4  }
0x50: {  	v60 =	vshll.u32 v3, $0x1  }
0x51: {  	v3 =	vand.u32 $0x7, v3;
	v4 =	vand.u32 $0xFFFFFFF0, v60  }
0x52: {  	v3 =	vor.u32 v3, v4  }
0x53: {  	v4 =	vperm.xlane v3, v0;
	_ =	sdelay $0x1  }
0x54: {  	v3 =	vperm.xlane v3, v2;
	v4 =	vadd.s32 v1, v4;
	_ =	sdelay $0x1  }
0x55: {  	v3 =	vadd.s32 v1, v3;
	_ =	sdelay $0x1  }
0x56: {  	s24 =	sor.u32 $0x4100, s21  }
0x57: {  	[tilespmem:s24], [sflag:$0x5] =	stream.indirect_vreg.gather [hbm4b:s1+s3], $0x80, v4, vm0, $0x2000b8;
	[tilespmem:$0x10100] =	vst v63  }
0x58: {  	s25 =	sor.u32 $0x4900, s21  }
0x59: {  	[tilespmem:s25], [sflag:$0x5] =	stream.indirect_vreg.gather [hbm4b:s1+s3], $0x80, v3, vm0, $0x2000b8;
	[tilespmem:$0x10100] =	vst v63  }
0x5a: {  	v3 =	vld [tilespmem:s22+$0x50];
	_ =	sdelay $0x4  }
0x5b: {  	v61 =	vshll.u32 v3, $0x1  }
0x5c: {  	v3 =	vand.u32 $0x7, v3;
	v4 =	vand.u32 $0xFFFFFFF0, v61  }
0x5d: {  	v3 =	vor.u32 v3, v4  }
0x5e: {  	v4 =	vperm.xlane v3, v0;
	_ =	sdelay $0x1  }
0x5f: {  	v3 =	vperm.xlane v3, v2;
	v4 =	vadd.s32 v1, v4;
	_ =	sdelay $0x1  }
0x60: {  	v3 =	vadd.s32 v1, v3;
	_ =	sdelay $0x1  }
0x61: {  	s26 =	sor.u32 $0x5100, s21  }
0x62: {  	[tilespmem:s26], [sflag:$0x5] =	stream.indirect_vreg.gather [hbm4b:s1+s3], $0x80, v4, vm0, $0x2000b8;
	[tilespmem:$0x10100] =	vst v63  }
0x63: {  	s28 =	sor.u32 $0x5900, s21  }
0x64: {  	[tilespmem:s28], [sflag:$0x5] =	stream.indirect_vreg.gather [hbm4b:s1+s3], $0x80, v3, vm0, $0x2000b8;
	[tilespmem:$0x10100] =	vst v63  }
0x65: {  	v3 =	vld [tilespmem:s22+$0x60];
	_ =	sdelay $0x4  }
0x66: {  	v62 =	vshll.u32 v3, $0x1  }
0x67: {  	v3 =	vand.u32 $0x7, v3;
	v4 =	vand.u32 $0xFFFFFFF0, v62  }
0x68: {  	v3 =	vor.u32 v3, v4  }
0x69: {  	v4 =	vperm.xlane v3, v0;
	_ =	sdelay $0x1  }
0x6a: {  	v3 =	vperm.xlane v3, v2;
	v4 =	vadd.s32 v1, v4;
	_ =	sdelay $0x1  }
0x6b: {  	v3 =	vadd.s32 v1, v3;
	_ =	sdelay $0x1  }
0x6c: {  	s29 =	sor.u32 $0x6100, s21  }
0x6d: {  	[tilespmem:s29], [sflag:$0x5] =	stream.indirect_vreg.gather [hbm4b:s1+s3], $0x80, v4, vm0, $0x2000b8;
	[tilespmem:$0x10100] =	vst v63  }
0x6e: {  	s30 =	sor.u32 $0x6900, s21  }
0x6f: {  	[tilespmem:s30], [sflag:$0x5] =	stream.indirect_vreg.gather [hbm4b:s1+s3], $0x80, v3, vm0, $0x2000b8;
	[tilespmem:$0x10100] =	vst v63  }
0x70: {  	v3 =	vld [tilespmem:s22+$0x70];
	_ =	sdelay $0x4  }
0x71: {  	v63 =	vshll.u32 v3, $0x1  }
0x72: {  	v3 =	vand.u32 $0x7, v3;
	v4 =	vand.u32 $0xFFFFFFF0, v63  }
0x73: {  	v3 =	vor.u32 v3, v4  }
0x74: {  	v4 =	vperm.xlane v3, v0;
	_ =	sdelay $0x1  }
0x75: {  	v3 =	vperm.xlane v3, v2;
	v4 =	vadd.s32 v1, v4;
	_ =	sdelay $0x1  }
0x76: {  	v3 =	vadd.s32 v1, v3;
	_ =	sdelay $0x1  }
0x77: {  	s31 =	sor.u32 $0x7100, s21  }
0x78: {  	[tilespmem:s31], [sflag:$0x5] =	stream.indirect_vreg.gather [hbm4b:s1+s3], $0x80, v4, vm0, $0x2000b8;
	[tilespmem:$0x10100] =	vst v63  }
0x79: {  	s21 =	sor.u32 $0x7900, s21  }
0x7a: {  	[tilespmem:s21], [sflag:$0x5] =	stream.indirect_vreg.gather [hbm4b:s1+s3], $0x80, v3, vm0, $0x2000b8;
	[tilespmem:$0x10100] =	vst v63  }
0x7b: {  	_ =	swait.ge [sflag:s10], $0x8000  }
0x7c: {  	p2 =	seq.s32 s8, s17;
	[sflag:s10] =	ssyncset.done $0x0  }
0x7d: {  	s18 =	sadd.s32 s5, s18;
	p1 =	por p2, p1;
	[sflag:s10] =	ssyncadd.s32 $0xFFFF8000  }
0x7e: {  	s18 =	sshll.u32 @p1 s18, $0xC;
	_ =	strace $0x90000054  }
0x7f: {  	s18 =	sand.u32 @p1 $0x1FFFF000, s18;
	s22 =	simm.s32 $0x1;
	_ =	strace @p1 $0x80000055  }
0x80: {  	s19 =	sadd.s32 @p1 $0x3, s19;
	s22 =	simm.s32 @!p0 $0x0;
	s21 =	rddreg [dreg:$0x3]  }
0x81: {  	p0 =	seq.s32 s17, $0x0;
	s18 =	sadd.s32 @p1 s21, s18;
	s21 =	simm.s32 @p1 $0x0  }
0x82: {  	[hbm4b:s18+s21] =	stream.linear.scatter @p1 [tilespmem:s20], [sflag:s19], $0x8000, $0x200038;
	[tilespmem:$0x10100] =	vst v63  }
0x83: {  	s18 =	simm.s32 $0x1;
	s20 =	simm.s32 $0x1;
	_ =	strace @p1 $0x90000055  }
0x84: {  	s18 =	simm.s32 @!p1 $0x0;
	p1 =	sne.s32 s17, $0x0;
	s17 =	sadd.s32 $0x1, s17  }
0x85: {  	s19 =	sand.u32 @!p0 $0x1, s12;
	s20 =	simm.s32 @!p1 $0x0;
	p1 =	sne.s32 s6, s17  }
.Ltmp0:
0x86: {  	s19 =	sadd.s32 @!p0 $0x3, s19;
	_ =	strace @!p0 $0x80000056;
	(pc) =	sbr.rel @p1 .LBB2_2-.Ltmp0, $4  }
0x87: {  	_ =	swait.ge @!p0 [sflag:s19], $0x8000  }
0x88: {  	[sflag:s19] =	ssyncset.done @!p0 $0x0  }
0x89: {  	s16 =	sadd.s32 s22, s16;
	s14 =	sadd.s32 s18, s14;
	[sflag:s19] =	ssyncadd.s32 @!p0 $0xFFFF8000  }
0x8a: {  	s15 =	sadd.s32 s18, s15;
	s12 =	sadd.s32 s20, s12;
	_ =	strace @!p0 $0x90000056  }
0x8b: {  	s11 =	sadd.s32 $0x1, s11  }
0x8c: {  	s12 =	sand.u32 $0x1, s12;
	p0 =	sne.s32 s11, s9  }
.Ltmp1:
0x8d: {  	_ =	strace $0x80000057;
	s12 =	sadd.s32 $0x3, s12;
	(pc) =	sbr.rel @p0 .LBB2_1-.Ltmp1, $4  }
0x8e: {  	_ =	swait.ge [sflag:s12], $0x8000  }
0x8f: {  	[sflag:s12] =	ssyncset.done $0x0  }
0x90: {  	[sflag:s12] =	ssyncadd.s32 $0xFFFF8000  }
0x91: {  	_ =	strace $0x90000057  }
0x92: {  	_ =	sfence.sel $0x180000  }
0x93: {  	[bflag:$0x0] =	sbarrier.arrive $0xFFFF  }
0x94: {  	p0 =	sne.s32 s2, $0x0;
	_ =	strace $0x90000050  }
0x95: {  	s0 =	sadd.s32 @!p0 $0x100000, s0;
	[bflag:$0x2] =	sbarrier.arrive $0xFFFF  }
0x96: {  	[sflag:s0] =	ssyncadd.tile.s32 @!p0 $0x1;
	_ =	shalt  }
.Lfunc_end2:
_tile_overlayer_lowered:
.L_overlay_start_2:
0x97: {  	(tag) =	ssettag $0x2  }
0x98: {  	s0 =	rddreg [dreg:$0x0];
	s2 =	stileid.u32  }
0x99: {  	s1 =	rddreg [dreg:$0x1];
	p0 =	sne.s32 s2, $0x0  }
0x9a: {  	s3 =	rddreg [dreg:$0x2];
	[bflag:$0x3] =	sbarrier.arrive $0xFFFF;
	s2 =	simm.s32 @!p0 $0x1C01  }
0x9b: {  	[timem:s3], [sflag:s2] =	dma.local @!p0 [hbm:s0], s1  }
0x9c: {  	s0 =	simm.s32 @!p0 $0x1  }
0x9d: {  	_ =	swait.ge @!p0 [sflag:s0], s1  }
0x9e: {  	s1 =	ssub.s32 @!p0 $0x0, s1;
	[sflag:s0] =	ssyncset.done @!p0 $0x0  }
0x9f: {  	[sflag:s0] =	ssyncadd.s32 @!p0 s1  }
0xa0: {  	[bflag:$0x3] =	sbarrier.arrive $0xFFFF  }
0xa1: {  	_ =	shalt  }

// kernel: sparse-core-data-format-call.1.cloned.1.call-start
scs
called_computation.1_lowered:
.L_overlay_start_0:
0x0: {  	s1 =	sld [smem:$0x3FD9]  }
0x1: {  	s2 =	sld [smem:$0x3FFE];
	_ =	sdelay $0x1  }
0x2: {  	s3 =	srdreg.scid  }
0x3: {  	s0 =	sand.u32 $0x1, s3  }
0x4: {  	s17 =	sshll.u32 s0, $0xA;
	s1 =	sadd.s32 s2, s1  }
0x5: {  	s1 =	sadd.s32 s1, s17  }
0x6: {  	[smem:$0x3FB9] =	sst s1  }
0x7: {  	_ = 	snop  }
0x8: {  	(tm) =	ssettm $0x1  }
0x9: {  	s18 =	sld [smem:$0x3FFB];
	_ =	sdelay $0x3  }
0xa: {  	_ =	strace s18  }
0xb: {  	s1 =	sld [smem:$0x3FFC];
	_ =	sdelay $0x3  }
0xc: {  	_ =	strace s1  }
0xd: {  	s1 =	sld [smem:$0x3FFD];
	_ =	sdelay $0x3  }
0xe: {  	_ =	strace s1  }
0xf: {  	_ =	strace $0x8FFFFFFF  }
0x10: {  	s19 =	sld [smem:$0x3FDB];
	_ =	sdelay $0x1  }
0x11: {  	s20 =	simm.s32 $_scs_section_size  }
0x12: {  	s4 =	simm.s32 $_size__tile_overlayer_lowered;
	s5 =	simm.s32 $_tile_overlayer_lowered  }
0x13: {  	s23 =	simm.s32 $0x1BFF;
	s22 =	sshll.u32 s5, $0x1;
	s1 =	sadd.s32 s20, s19  }
0x14: {  	s6 =	simm.s32 $0x0;
	s21 =	sshll.u32 s4, $0x1;
	s4 =	sadd.s32 s22, s1  }
0x15: {  	[timem:s6], [sflag:s23] =	dma.local [hbm:s4], s21  }
0x16: {  	_ =	swait.ge [sflag:s23], s21  }
0x17: {  	s2 =	ssub.s32 $0x0, s21;
	[sflag:s23] =	ssyncset.done $0x0  }
0x18: {  	[sflag:s23] =	ssyncadd.s32 s2;
	_ =	sdelay $0x1  }
0x19: {  	s24 =	simm.s32 $0x1B8B  }
0x1a: {  	_ =	swait.ge [sflag:s24], $0x1  }
0x1b: {  	[sflag:s24] =	ssyncset.done $0x0  }
0x1c: {  	s26 =	simm.s32 $0x1B8E;
	s25 =	sld [smem:$0x3FFE];
	[sflag:s24] =	ssyncadd.s32 $0xFFFFFFFF  }
0x1d: {  	s27 =	simm.s32 $execute0_lowered;
	[smem:$0x3FD2] =	sst s26  }
0x1e: {  	s4 =	sshll.u32 s27, $0x1;
	_ =	strace $0x8000004C;
	[dreg:$0x1] =	wrdreg $0xFFFFFFFF  }
0x1f: {  	s28 =	simm.s32 $_size_execute0_lowered;
	s1 =	sadd.s32 s1, s4;
	[dreg:$0x0] =	wrdreg $0x0  }
0x20: {  	s4 =	sshll.u32 s28, $0x1;
	[dreg:$0x2] =	wrdreg s1  }
0x21: {  	[dreg:$0x3] =	wrdreg s4  }
0x22: {  	[dreg:$0x4] =	wrdreg $0xC0  }
0x23: {  	_ =	task [dreg:s6], $0x5FFFF  }
0x24: {  	[dreg:$0x1] =	wrdreg $0xFFFFFFFF  }
0x25: {  	[dreg:$0x0] =	wrdreg $0x60  }
0x26: {  	[dreg:$0x2] =	wrdreg s25  }
0x27: {  	[dreg:$0x3] =	wrdreg $0x9  }
0x28: {  	_ =	task.clear_ibuf [dreg:s6], $0x4FFFF;
	_ =	strace $0x9000004C  }
0x29: {  	s29 =	simm.s32 $0x9;
	_ =	strace $0x8000004E  }
0x2a: {  	_ =	swait.ge [sflag:s29], $0x1  }
0x2b: {  	[sflag:s29] =	ssyncadd.s32 $0xFFFFFFFF  }
0x2c: {  	_ =	strace $0x9000004E  }
0x2d: {  	_ =	sfence  }
0x2e: {  	s30 =	sld [smem:$0x0];
	_ =	sdelay $0x2  }
0x2f: {  	s31 =	sshll.u32 s3, $0xD;
	s3 =	sshrl.u32 s3, $0x2  }
0x30: {  	s2 =	sand.u32 $0x4000, s31;
	s1 =	sadd.s32 s3, s30  }
0x31: {  	s0 =	sor.u32 s2, s0;
	s1 =	sshll.u32 s1, $0x11  }
0x32: {  	s0 =	sor.u32 s1, s0  }
0x33: {  	s0 =	sadd.s32 $0x8F2B, s0  }
0x34: {  	[sflag:s0] =	ssyncadd.remote.s32 $0x1  }
0x35: {  	_ =	sfence.sel $0xFFFF  }
0x36: {  	[dreg:$0x0] =	wrdreg $0xFFFFFFFF;
	(pc) =	sbr.abs _section_cstart, $3  }
0x37: {  	[dreg:$0x1] =	wrdreg $0xFFFFFFFF  }
0x38: {  	_ =	task.clear_ibuf [dreg:s6], $0x2FFFF;
	_ =	strace $0x9FFFFFFF  }
0x39: {  	(tm) =	ssettm $0x7FFFFFFF  }
tec
execute0_lowered:
.L_overlay_start_1:
0x0: {  	(tag) =	ssettag $0x1  }
0x1: {  	s3 =	rddreg [dreg:$0x0]  }
0x2: {  	s0 =	rddreg [dreg:$0x1]  }
0x3: {  	s1 =	srdreg.scid;
	_ =	strace $0x8000004D;
	s8 =	simm.s32 $0x2  }
0x4: {  	s7 =	simm.s32 $0x0;
	s17 =	simm.s32 $0x0;
	s9 =	simm.s32 $0x1800  }
0x5: {  	s15 =	simm.s32 $0x0;
	s18 =	simm.s32 $0x0;
	s16 =	simm.s32 $0x0  }
0x6: {  	s10 =	simm.s32 $0x0;
	s12 =	simm.s32 $0x0;
	s14 =	simm.s32 $0x0  }
0x7: {  	s4 =	sshll.u32 s1, $0x4;
	s2 =	sadd.s32 $0x9600, s3;
	s1 =	stileid.u32  }
.Ltmp0:
0x8: {  	s3 =	sadd.s32 $0x255600, s3;
	s4 =	sand.u32 $0x10, s4;
	(pc) =	sbr.rel .LBB1_1-.Ltmp0, $4  }
0x9: {  	s5 =	sand.u32 $0x7, s1;
	s6 =	sor.u32 s1, s4;
	s4 =	simm.s32 $0x1  }
0xa: {  	p0 =	seq.s32 s5, $0x7;
	s13 =	smov.u32 s5;
	s6 =	sshrl.u32 s6, $0x3  }
0xb: {  	[sflag:s4] =	ssyncpa.u1 $0x0;
	s7 =	simm.s32 @!p0 $0x2A;
	p0 =	por $0x0, $0x0  }
0xc: {  	[sflag:s8] =	ssyncpa.u1 $0x0;
	s8 =	sor.u32 $0x1, s7;
	s11 =	smov.u32 s6  }
.LBB1_4:
0xd: {  	s22 =	sshrl.u32 s18, $0x3  }
0xe: {  	s23 =	sshll.u32 s17, $0x3;
	s22 =	smul.u32 $0x1800, s22  }
0xf: {  	s26 =	sshll.u32 s18, $0x7;
	s23 =	sand.u32 $0xFFFFFC00, s23  }
0x10: {  	s18 =	sand.u32 $0x380, s26;
	s22 =	sadd.s32 s22, s23  }
0x11: {  	[tilespmem:v0+s21+$0xFFFFFFD0 ss:$0x1] =	vst.idx.msk $0xffff, v6;
	s18 =	sor.u32 s18, s22  }
0x12: {  	v56 =	vld.idx.msk [tilespmem:v1+s20+$0x0 ss:$0x1], $0xffff;
	[tilespmem:v0+s21+$0xFFFFFFE0 ss:$0x1] =	vst.idx.msk $0xffff, v5;
	s22 =	smulhi.u32 $0xAAAAAAAB, s18  }
0x13: {  	v57 =	vld.idx.msk [tilespmem:v1+s20+$0xFFFFFF90 ss:$0x1], $0xffff;
	[tilespmem:v0+s21+$0xFFFFFFF0 ss:$0x1] =	vst.idx.msk $0xffff, v4  }
0x14: {  	s27 =	sand.u32 $0x7F, s17;
	v58 =	vld.idx.msk [tilespmem:v1+s20+$0xFFFFFFA0 ss:$0x1], $0xffff;
	[tilespmem:v0+s21+$0x0 ss:$0x1] =	vst.idx.msk $0xffff, v3;
	s22 =	sshrl.u32 s22, $0x9  }
0x15: {  	v59 =	vld.idx.msk [tilespmem:v1+s20+$0xFFFFFFB0 ss:$0x1], $0xffff;
	[tilespmem:v0+s21+$0x10 ss:$0x1] =	vst.idx.msk $0xffff, v2;
	s17 =	sor.u32 s27, s18;
	s28 =	smulhi.u32 $0x924925, s22  }
0x16: {  	[tilespmem:v0+s21+$0x20 ss:$0x1] =	vst.idx.msk $0xffff, v7;
	v60 =	vld.idx.msk [tilespmem:v1+s20+$0xFFFFFFC0 ss:$0x1], $0xffff;
	s18 =	smulhi.u32 $0xAAAAAAAB, s17  }
0x17: {  	v61 =	vld.idx.msk [tilespmem:v1+s20+$0xFFFFFFD0 ss:$0x1], $0xffff;
	s16 =	smul.u32 $0x54000, s16;
	[tilespmem:v0+s20+$0x30 ss:$0x1] =	vst.idx.msk $0xffff, v56;
	s29 =	sshrl.u32 s28, $0x1  }
0x18: {  	v62 =	vld.idx.msk [tilespmem:v1+s20+$0xFFFFFFE0 ss:$0x1], $0xffff;
	[tilespmem:v0+s20+$0xFFFFFFC0 ss:$0x1] =	vst.idx.msk $0xffff, v57;
	s18 =	sshrl.u32 s18, $0x9;
	s21 =	smul.u32 $0x380, s29  }
0x19: {  	v63 =	vld.idx.msk [tilespmem:v1+s20+$0xFFFFFFF0 ss:$0x1], $0xffff;
	[tilespmem:v0+s20+$0xFFFFFFD0 ss:$0x1] =	vst.idx.msk $0xffff, v58;
	s18 =	smul.u32 $0x300, s18  }
0x1a: {  	s15 =	smul.u32 $0x15000, s15;
	[tilespmem:v0+s20+$0xFFFFFFE0 ss:$0x1] =	vst.idx.msk $0xffff, v59;
	s21 =	ssub.s32 s22, s21  }
0x1b: {  	s16 =	sadd.s32 s3, s16;
	[tilespmem:v0+s20+$0xFFFFFFF0 ss:$0x1] =	vst.idx.msk $0xffff, v60;
	s17 =	ssub.s32 s17, s18;
	s30 =	smul.u32 $0x60, s21  }
0x1c: {  	s15 =	sadd.s32 s15, s16;
	[tilespmem:v0+s20+$0x0 ss:$0x1] =	vst.idx.msk $0xffff, v61;
	s31 =	sand.u32 $0x7, s17  }
0x1d: {  	[tilespmem:v0+s20+$0x10 ss:$0x1] =	vst.idx.msk $0xffff, v62;
	s17 =	sshrl.u32 s17, $0x3;
	s16 =	sshll.u32 s31, $0x12;
	s15 =	sadd.s32 s30, s15  }
0x1e: {  	[tilespmem:v0+s20+$0x20 ss:$0x1] =	vst.idx.msk $0xffff, v63;
	s16 =	sor.u32 $0x400, s16;
	s15 =	sadd.s32 s17, s15  }
0x1f: {  	[hbm4b:s15+s16] =	stream.strided.scatter [tilespmem:s19], [sflag:$0x2], $0x4000, s9, s16, $0x38;
	[tilespmem:$0x10000] =	vst v63  }
.LBB1_5:
0x20: {  	s19 =	sadd.s32 $0x80, s10  }
0x21: {  	s15 =	sadd.s32 $0x4, s11;
	s20 =	smov.u32 s11;
	p2 =	sgt.s32 s19, $0x2FF  }
0x22: {  	s20 =	smov.u32 @p2 s15  }
0x23: {  	s21 =	smov.u32 s12;
	s15 =	sadd.s32 $0x80, s12;
	p3 =	sgt.s32 s20, $0x3  }
0x24: {  	s21 =	smov.u32 @p3 s15  }
0x25: {  	s22 =	smov.u32 s13;
	s15 =	sadd.s32 $0x8, s13;
	p4 =	sgt.s32 s21, $0x37F  }
0x26: {  	p1 =	slt.u32 s14, $0x2;
	s22 =	smov.u32 @p4 s15  }
0x27: {  	s17 =	smov.u32 s10;
	s19 =	simm.s32 @p2 $0x0;
	p2 =	sgt.s32 s22, $0x6  }
0x28: {  	s23 =	simm.s32 @!p1 $0x2;
	s22 =	smov.u32 @p2 s5;
	p2 =	sne.s32 s14, s8  }
.Ltmp1:
0x29: {  	s18 =	smov.u32 s12;
	_ =	swait.ge @!p1 [sflag:s23], $0x4000;
	(pc) =	sbr.rel @!p2 .LBB1_6-.Ltmp1, $4  }
0x2a: {  	s16 =	smov.u32 s13;
	p0 =	por !p0, !p0;
	[sflag:s23] =	ssyncset.done @!p1 $0x0  }
0x2b: {  	s10 =	smov.u32 s19;
	s20 =	smov.u32 @p3 s6;
	[sflag:s23] =	ssyncadd.s32 @!p1 $0xFFFFC000  }
0x2c: {  	s21 =	simm.s32 @p4 $0x0;
	s15 =	smov.u32 s11;
	s11 =	smov.u32 s20  }
0x2d: {  	s12 =	smov.u32 s21;
	s14 =	sadd.s32 $0x1, s14;
	s13 =	smov.u32 s22  }
.LBB1_1:
0x2e: {  	p1 =	sge.u32 s14, s7  }
0x2f: {  	s19 =	sshrl.u32 @!p1 s11, $0x2  }
0x30: {  	s20 =	sshll.u32 @!p1 s10, $0x2;
	s19 =	smul.u32 @!p1 $0xC00, s19  }
0x31: {  	s21 =	sshll.u32 @!p1 s11, $0x7;
	s20 =	sand.u32 @!p1 $0xFFFFFE00, s20  }
0x32: {  	s19 =	sadd.s32 @!p1 s19, s20;
	s20 =	sand.u32 @!p1 $0x180, s21  }
0x33: {  	s21 =	sand.u32 @!p1 $0x7F, s10;
	s19 =	sor.u32 @!p1 s20, s19  }
0x34: {  	s20 =	sor.u32 @!p1 s21, s19  }
0x35: {  	s21 =	smulhi.u32 @!p1 $0xAAAAAAAB, s20  }
0x36: {  	s19 =	smulhi.u32 @!p1 $0xAAAAAAAB, s19  }
0x37: {  	s31 =	sadd.s32 $0xFFFFFFFF, s14;
	s23 =	smul.u32 @!p1 $0x54000, s13;
	s21 =	sshrl.u32 @!p1 s21, $0x9  }
0x38: {  	s22 =	sxor.u32 @!p1 $0xFFFFFFFF, s14;
	s19 =	sshrl.u32 @!p1 s19, $0x9;
	s21 =	smul.u32 @!p1 $0x300, s21  }
0x39: {  	s24 =	smul.u32 @!p1 $0x180, s12;
	s22 =	sshll.u32 @!p1 s22, $0xE;
	s19 =	sand.u32 @!p1 $0x3, s19  }
0x3a: {  	s19 =	smul.u32 @!p1 $0x60, s19;
	s20 =	ssub.s32 @!p1 s20, s21;
	s21 =	sadd.s32 @!p1 s2, s23  }
0x3b: {  	s22 =	sand.u32 @!p1 $0x4000, s22;
	s21 =	sadd.s32 @!p1 s24, s21;
	s23 =	sand.u32 @!p1 $0x7, s20  }
0x3c: {  	s20 =	sshrl.u32 @!p1 s20, $0x3;
	s19 =	sadd.s32 @!p1 s19, s21;
	s21 =	sshll.u32 @!p1 s23, $0x12  }
0x3d: {  	s19 =	sadd.s32 @!p1 s20, s19;
	s20 =	sor.u32 @!p1 $0x80, s21;
	s21 =	simm.s32 @!p1 $0xC00  }
0x3e: {  	[tilespmem:s22], [sflag:$0x1] =	stream.strided.gather @!p1 [hbm4b:s19+s20], $0x4000, s21, s20, $0x38;
	[tilespmem:$0x10000] =	vst v63  }
0x3f: {  	p1 =	sge.u32 s31, s7  }
.Ltmp2:
0x40: {  	_ = 	snop;
	(pc) =	sbr.rel @p1 .LBB1_5-.Ltmp2, $1  }
0x41: {  	_ =	sdelay $0x3  }
0x42: {  	s19 =	simm.s32 $0x1  }
0x43: {  	s19 =	simm.s32 @!p0 $0x0  }
0x44: {  	s19 =	sshll.u32 s19, $0xE  }
0x45: {  	s20 =	sor.u32 $0x70, s19  }
0x46: {  	v1 =	vmov s20;
	_ =	sdelay $0x1  }
0x47: {  	_ =	swait.ge [sflag:s4], $0x4000  }
0x48: {  	[sflag:s4] =	ssyncset.done $0x0  }
0x49: {  	s21 =	simm.s32 $0x0;
	[sflag:s4] =	ssyncadd.s32 $0xFFFFC000  }
0x4a: {  	s19 =	sor.u32 $0x8040, s19;
	v7 =	vld.idx.msk [tilespmem:v1+s21+$0x0 ss:$0x1], $0xffff  }
0x4b: {  	v0 =	vmov s19;
	v8 =	vld.idx.msk [tilespmem:v1+s21+$0xFFFFFF90 ss:$0x1], $0xffff  }
0x4c: {  	v6 =	vld.idx.msk [tilespmem:v1+s21+$0xFFFFFFA0 ss:$0x1], $0xffff  }
0x4d: {  	v5 =	vld.idx.msk [tilespmem:v1+s21+$0xFFFFFFB0 ss:$0x1], $0xffff  }
0x4e: {  	v4 =	vld.idx.msk [tilespmem:v1+s21+$0xFFFFFFC0 ss:$0x1], $0xffff  }
0x4f: {  	s31 =	sshll.u32 s14, $0xE;
	v3 =	vld.idx.msk [tilespmem:v1+s21+$0xFFFFFFD0 ss:$0x1], $0xffff  }
0x50: {  	s19 =	sand.u32 $0x4000, s31;
	v2 =	vld.idx.msk [tilespmem:v1+s21+$0xFFFFFFE0 ss:$0x1], $0xffff;
	[tilespmem:v0+s21+$0x30 ss:$0x1] =	vst.idx.msk $0xffff, v7  }
0x51: {  	s22 =	simm.s32 $0x400;
	s20 =	simm.s32 $0x80;
	s19 =	sor.u32 $0x8000, s19;
	[tilespmem:v0+s21+$0xFFFFFFC0 ss:$0x1] =	vst.idx.msk $0xffff, v8;
	v7 =	vld.idx.msk [tilespmem:v1+s21+$0xFFFFFFF0 ss:$0x1], $0xffff  }
.LBB1_3:
0x52: {  	p1 =	sne.s32 s22, $0xFE00;
	v8 =	vld.idx.msk [tilespmem:v1+s20+$0x0 ss:$0x1], $0xffff;
	[tilespmem:v0+s21+$0xFFFFFFD0 ss:$0x1] =	vst.idx.msk $0xffff, v6  }
0x53: {  	v9 =	vld.idx.msk [tilespmem:v1+s20+$0xFFFFFF90 ss:$0x1], $0xffff;
	[tilespmem:v0+s21+$0xFFFFFFE0 ss:$0x1] =	vst.idx.msk $0xffff, v5  }
0x54: {  	v6 =	vld.idx.msk [tilespmem:v1+s20+$0xFFFFFFA0 ss:$0x1], $0xffff;
	[tilespmem:v0+s21+$0xFFFFFFF0 ss:$0x1] =	vst.idx.msk $0xffff, v4  }
.Ltmp3:
0x55: {  	v5 =	vld.idx.msk [tilespmem:v1+s20+$0xFFFFFFB0 ss:$0x1], $0xffff;
	[tilespmem:v0+s21+$0x0 ss:$0x1] =	vst.idx.msk $0xffff, v3;
	(pc) =	sbr.rel @p1 .LBB1_3-.Ltmp3, $4  }
0x56: {  	v4 =	vld.idx.msk [tilespmem:v1+s20+$0xFFFFFFC0 ss:$0x1], $0xffff;
	[tilespmem:v0+s21+$0x10 ss:$0x1] =	vst.idx.msk $0xffff, v2  }
0x57: {  	v3 =	vld.idx.msk [tilespmem:v1+s20+$0xFFFFFFD0 ss:$0x1], $0xffff;
	[tilespmem:v0+s21+$0x20 ss:$0x1] =	vst.idx.msk $0xffff, v7;
	s21 =	smov.u32 s20  }
0x58: {  	v2 =	vld.idx.msk [tilespmem:v1+s21+$0xFFFFFFE0 ss:$0x1], $0xffff;
	[tilespmem:v0+s21+$0x30 ss:$0x1] =	vst.idx.msk $0xffff, v8  }
0x59: {  	s20 =	sshra.s32 s22, $0x2;
	s22 =	sadd.s32 $0x200, s22;
	[tilespmem:v0+s21+$0xFFFFFFC0 ss:$0x1] =	vst.idx.msk $0xffff, v9;
	v7 =	vld.idx.msk [tilespmem:v1+s21+$0xFFFFFFF0 ss:$0x1], $0xffff  }
.Ltmp4:
0x5a: {  	_ = 	snop;
	(pc) =	sbr.rel .LBB1_4-.Ltmp4, $1  }
0x5b: {  	_ =	sdelay $0x3  }
.LBB1_6:
0x5c: {  	_ =	sfence.sel $0x180000  }
0x5d: {  	s2 =	simm.s32 $0x1;
	[bflag:$0x0] =	sbarrier.arrive $0xFFFF  }
0x5e: {  	s31 =	simm.s32 $0x2;
	[sflag:s2] =	ssyncpa.u1 $0x1  }
0x5f: {  	[sflag:s31] =	ssyncpa.u1 $0x1  }
0x60: {  	p0 =	sne.s32 s1, $0x0;
	_ =	strace $0x9000004D  }
0x61: {  	s0 =	sadd.s32 @!p0 $0x100000, s0;
	[bflag:$0x2] =	sbarrier.arrive $0xFFFF  }
0x62: {  	[sflag:s0] =	ssyncadd.tile.s32 @!p0 $0x1;
	_ =	shalt  }
.Lfunc_end1:
_tile_overlayer_lowered:
.L_overlay_start_2:
0x63: {  	(tag) =	ssettag $0x2  }
0x64: {  	s0 =	rddreg [dreg:$0x0];
	s2 =	stileid.u32  }
0x65: {  	s1 =	rddreg [dreg:$0x1];
	p0 =	sne.s32 s2, $0x0  }
0x66: {  	s3 =	rddreg [dreg:$0x2];
	[bflag:$0x3] =	sbarrier.arrive $0xFFFF;
	s2 =	simm.s32 @!p0 $0x1C01  }
0x67: {  	[timem:s3], [sflag:s2] =	dma.local @!p0 [hbm:s0], s1  }
0x68: {  	s0 =	simm.s32 @!p0 $0x1  }
0x69: {  	_ =	swait.ge @!p0 [sflag:s0], s1  }
0x6a: {  	s1 =	ssub.s32 @!p0 $0x0, s1;
	[sflag:s0] =	ssyncset.done @!p0 $0x0  }
0x6b: {  	[sflag:s0] =	ssyncadd.s32 @!p0 s1  }
0x6c: {  	[bflag:$0x3] =	sbarrier.arrive $0xFFFF  }
0x6d: {  	_ =	shalt  }

// kernel: sparse-core-data-format-call.2.cloned.1.call-start
scs
called_computation.2_lowered:
.L_overlay_start_0:
0x0: {  	s1 =	sld [smem:$0x3FD9]  }
0x1: {  	s2 =	sld [smem:$0x3FFE];
	_ =	sdelay $0x1  }
0x2: {  	s3 =	srdreg.scid  }
0x3: {  	s0 =	sand.u32 $0x1, s3  }
0x4: {  	s17 =	sshll.u32 s0, $0xA;
	s1 =	sadd.s32 s2, s1  }
0x5: {  	s1 =	sadd.s32 s1, s17  }
0x6: {  	[smem:$0x3FB9] =	sst s1  }
0x7: {  	_ = 	snop  }
0x8: {  	(tm) =	ssettm $0x1  }
0x9: {  	s18 =	sld [smem:$0x3FFB];
	_ =	sdelay $0x3  }
0xa: {  	_ =	strace s18  }
0xb: {  	s1 =	sld [smem:$0x3FFC];
	_ =	sdelay $0x3  }
0xc: {  	_ =	strace s1  }
0xd: {  	s1 =	sld [smem:$0x3FFD];
	_ =	sdelay $0x3  }
0xe: {  	_ =	strace s1  }
0xf: {  	_ =	strace $0x8FFFFFFF  }
0x10: {  	s19 =	sld [smem:$0x3FDB];
	_ =	sdelay $0x1  }
0x11: {  	s20 =	simm.s32 $_scs_section_size  }
0x12: {  	s4 =	simm.s32 $_size__tile_overlayer_lowered;
	s5 =	simm.s32 $_tile_overlayer_lowered  }
0x13: {  	s23 =	simm.s32 $0x1BFF;
	s22 =	sshll.u32 s5, $0x1;
	s1 =	sadd.s32 s20, s19  }
0x14: {  	s6 =	simm.s32 $0x0;
	s21 =	sshll.u32 s4, $0x1;
	s4 =	sadd.s32 s22, s1  }
0x15: {  	[timem:s6], [sflag:s23] =	dma.local [hbm:s4], s21  }
0x16: {  	_ =	swait.ge [sflag:s23], s21  }
0x17: {  	s2 =	ssub.s32 $0x0, s21;
	[sflag:s23] =	ssyncset.done $0x0  }
0x18: {  	[sflag:s23] =	ssyncadd.s32 s2;
	_ =	sdelay $0x1  }
0x19: {  	s24 =	simm.s32 $0x1B8B  }
0x1a: {  	_ =	swait.ge [sflag:s24], $0x1  }
0x1b: {  	[sflag:s24] =	ssyncset.done $0x0  }
0x1c: {  	s26 =	simm.s32 $0x1B8E;
	s25 =	sld [smem:$0x3FFE];
	[sflag:s24] =	ssyncadd.s32 $0xFFFFFFFF  }
0x1d: {  	s27 =	simm.s32 $execute0_lowered;
	[smem:$0x3FD2] =	sst s26  }
0x1e: {  	s4 =	sshll.u32 s27, $0x1;
	_ =	strace $0x80000049;
	[dreg:$0x1] =	wrdreg $0xFFFFFFFF  }
0x1f: {  	s28 =	simm.s32 $_size_execute0_lowered;
	s1 =	sadd.s32 s1, s4;
	[dreg:$0x0] =	wrdreg $0x0  }
0x20: {  	s4 =	sshll.u32 s28, $0x1;
	[dreg:$0x2] =	wrdreg s1  }
0x21: {  	[dreg:$0x3] =	wrdreg s4  }
0x22: {  	[dreg:$0x4] =	wrdreg $0xC0  }
0x23: {  	_ =	task [dreg:s6], $0x5FFFF  }
0x24: {  	[dreg:$0x1] =	wrdreg $0xFFFFFFFF  }
0x25: {  	[dreg:$0x0] =	wrdreg $0x60  }
0x26: {  	[dreg:$0x2] =	wrdreg s25  }
0x27: {  	[dreg:$0x3] =	wrdreg $0x9  }
0x28: {  	_ =	task.clear_ibuf [dreg:s6], $0x4FFFF;
	_ =	strace $0x90000049  }
0x29: {  	s29 =	simm.s32 $0x9;
	_ =	strace $0x8000004B  }
0x2a: {  	_ =	swait.ge [sflag:s29], $0x1  }
0x2b: {  	[sflag:s29] =	ssyncadd.s32 $0xFFFFFFFF  }
0x2c: {  	_ =	strace $0x9000004B  }
0x2d: {  	_ =	sfence  }
0x2e: {  	s30 =	sld [smem:$0x0];
	_ =	sdelay $0x2  }
0x2f: {  	s31 =	sshll.u32 s3, $0xD;
	s3 =	sshrl.u32 s3, $0x2  }
0x30: {  	s2 =	sand.u32 $0x4000, s31;
	s1 =	sadd.s32 s3, s30  }
0x31: {  	s0 =	sor.u32 s2, s0;
	s1 =	sshll.u32 s1, $0x11  }
0x32: {  	s0 =	sor.u32 s1, s0  }
0x33: {  	s0 =	sadd.s32 $0x8F2B, s0  }
0x34: {  	[sflag:s0] =	ssyncadd.remote.s32 $0x1  }
0x35: {  	_ =	sfence.sel $0xFFFF  }
0x36: {  	[dreg:$0x0] =	wrdreg $0xFFFFFFFF;
	(pc) =	sbr.abs _section_cstart, $3  }
0x37: {  	[dreg:$0x1] =	wrdreg $0xFFFFFFFF  }
0x38: {  	_ =	task.clear_ibuf [dreg:s6], $0x2FFFF;
	_ =	strace $0x9FFFFFFF  }
0x39: {  	(tm) =	ssettm $0x7FFFFFFF  }
tec
execute0_lowered:
.L_overlay_start_1:
0x0: {  	(tag) =	ssettag $0x1  }
0x1: {  	s0 =	srdreg.scid  }
0x2: {  	s5 =	rddreg [dreg:$0x0];
	s0 =	sshll.u32 s0, $0x3  }
0x3: {  	s7 =	simm.s32 $0x2;
	s14 =	simm.s32 $0x0;
	s2 =	sand.u32 $0x8, s0  }
0x4: {  	s8 =	simm.s32 $0x800;
	s9 =	simm.s32 $0x310000;
	s1 =	ssub.s32 $0x10, s2  }
0x5: {  	s10 =	simm.s32 $0x0;
	s0 =	stileid.u32;
	s3 =	sshrl.u32 s1, $0x3  }
0x6: {  	s4 =	ssub.s32 $0x2B, s0;
	s1 =	sshrl.u32 s1, $0x4;
	s3 =	sand.u32 $0x1, s3  }
0x7: {  	s15 =	simm.s32 $0x0;
	s4 =	sshrl.u32 s4, $0x4;
	s3 =	sadd.s32 s1, s3  }
0x8: {  	s16 =	simm.s32 $0x0;
	s11 =	simm.s32 $0x0;
	s4 =	smul.u32 s3, s4  }
.Ltmp0:
0x9: {  	s12 =	stileid.u32;
	s13 =	simm.s32 $0x0;
	(pc) =	sbr.rel .LBB1_1-.Ltmp0, $4  }
0xa: {  	s22 =	simm.s32 $0x0;
	s31 =	sshll.u32 s2, $0x8;
	s1 =	rddreg [dreg:$0x1]  }
0xb: {  	_ =	strace $0x8000004A;
	s3 =	simm.s32 $0x1;
	s4 =	smul.u32 $0x1C, s4  }
0xc: {  	s6 =	sadd.s32 s31, s5;
	s5 =	sadd.s32 $0x319600, s5;
	[sflag:s3] =	ssyncpa.u1 $0x0  }
0xd: {  	s6 =	sadd.s32 $0x9600, s6;
	[sflag:s7] =	ssyncpa.u1 $0x0;
	s7 =	sor.u32 $0x1, s4  }
.LBB1_7:
0xe: {  	s17 =	sadd.s32 $0x1, s11  }
0xf: {  	s15 =	sadd.s32 $0x10, s12;
	s18 =	smov.u32 s12;
	p1 =	sgt.s32 s17, $0x1B  }
0x10: {  	s18 =	smov.u32 @p1 s15  }
0x11: {  	s17 =	simm.s32 @p1 $0x0;
	p1 =	sgt.s32 s18, $0x1B  }
0x12: {  	s18 =	smov.u32 @p1 s0;
	p1 =	sne.s32 s13, s7  }
.Ltmp1:
0x13: {  	p0 =	slt.u32 s13, $0x2;
	(pc) =	sbr.rel @!p1 .LBB1_8-.Ltmp1, $4  }
0x14: {  	s16 =	smov.u32 s12;
	s14 =	simm.s32 @!p0 $0x2  }
0x15: {  	s10 =	sadd.s32 $0x4000, s10;
	_ =	swait.ge @!p0 [sflag:s14], $0x4000;
	s15 =	smov.u32 s11  }
0x16: {  	[sflag:s14] =	ssyncset.done @!p0 $0x0;
	s11 =	smov.u32 s17;
	s13 =	sadd.s32 $0x1, s13  }
0x17: {  	[sflag:s14] =	ssyncadd.s32 @!p0 $0xFFFFC000;
	s14 =	smov.u32 s2;
	s12 =	smov.u32 s18  }
.LBB1_1:
0x18: {  	p0 =	sge.u32 s13, s4  }
0x19: {  	s17 =	smul.u32 @!p0 $0x1C000, s12  }
0x1a: {  	s31 =	sadd.s32 $0xFFFFFFFF, s13;
	s18 =	sxor.u32 @!p0 $0xFFFFFFFF, s13  }
0x1b: {  	s19 =	sshll.u32 @!p0 s11, $0xC;
	s18 =	sshll.u32 @!p0 s18, $0xE;
	s17 =	sadd.s32 @!p0 s17, s6  }
0x1c: {  	s18 =	sand.u32 @!p0 $0x4000, s18;
	s17 =	sadd.s32 @!p0 s19, s17;
	s19 =	simm.s32 @!p0 $0x0  }
0x1d: {  	[tilespmem:s18], [sflag:$0x1] =	stream.linear.gather @!p0 [hbm4b:s17+s19], $0x4000, $0x38;
	[tilespmem:$0x10000] =	vst v63  }
0x1e: {  	p0 =	sge.u32 s31, s4  }
.Ltmp2:
0x1f: {  	_ = 	snop;
	(pc) =	sbr.rel @p0 .LBB1_7-.Ltmp2, $1  }
0x20: {  	_ =	sdelay $0x3  }
0x21: {  	s17 =	sshll.u32 s10, $0x2;
	_ =	swait.ge [sflag:s3], $0x4000;
	s31 =	sshll.u32 s13, $0xE  }
0x22: {  	p0 =	por $0x0, $0x0;
	s23 =	simm.s32 $0x0;
	s24 =	simm.s32 $0x0  }
0x23: {  	s17 =	sand.u32 $0x10000, s17;
	[sflag:s3] =	ssyncset.done $0x0;
	s20 =	sand.u32 $0x4000, s31  }
0x24: {  	s21 =	sshrl.u32 s17, $0x2;
	[sflag:s3] =	ssyncadd.s32 $0xFFFFC000;
	s17 =	sor.u32 $0x8000, s20  }
0x25: {  	s18 =	sor.u32 $0x40, s21;
	s19 =	sor.u32 $0x8410, s21;
	s21 =	sadd.s32 $0x8400, s21  }
.LBB1_3:
0x26: {  	v1 =	vld [tilespmem:s18+$0xFFFFFFD0]  }
0x27: {  	v2 =	vld [tilespmem:s18+$0x430]  }
0x28: {  	s25 =	sshll.u32 s24, $0xB;
	v4 =	vld [tilespmem:s18+$0xFFFFFFE0]  }
0x29: {  	v7 =	vld [tilespmem:s18+$0xFFFFFFF0];
	v0 =	vmov s25  }
0x2a: {  	v8 =	vld [tilespmem:s18+$0x0]  }
0x2b: {  	s31 =	sand.u32 $0x300, s22;
	v9 =	vld [tilespmem:s18+$0x10]  }
0x2c: {  	s26 =	sand.u32 $0x80, s22;
	v10 =	vld [tilespmem:s18+$0x20];
	s25 =	sadd.s32 s31, s20  }
0x2d: {  	v11 =	vld [tilespmem:s18+$0x30];
	s25 =	sadd.s32 s26, s25;
	s26 =	simm.s32 $0x1;
	[tilespmem:s19+$0x60] =	vst v2  }
0x2e: {  	s31 =	sshll.u32 s23, $0x2;
	s26 =	simm.s32 @!p0 $0x0;
	[tilespmem:s19+$0xFFFFFC00] =	vst v1;
	v3 =	vld.idx.msk [tilespmem:v0+s25+$0x400 ss:$0x1], $0xffff  }
0x2f: {  	v6 =	vld [tilespmem:s18+$0x3D0];
	s26 =	sshll.u32 s26, $0x9;
	[tilespmem:s19+$0xFFFFFC10] =	vst v4;
	s25 =	sand.u32 $0xFFFFFC00, s31  }
0x30: {  	v5 =	vld [tilespmem:s18+$0x3E0];
	[tilespmem:s19+$0xFFFFFC20] =	vst v7;
	s25 =	sor.u32 s26, s25  }
0x31: {  	[tilespmem:s19+$0xFFFFFC30] =	vst v8;
	v4 =	vld [tilespmem:s18+$0x400];
	s25 =	sshrl.u32 s25, $0x2  }
0x32: {  	[tilespmem:s19+$0xFFFFFC40] =	vst v9;
	v1 =	vld [tilespmem:s18+$0x410];
	s25 =	sadd.s32 s25, s21  }
0x33: {  	[tilespmem:s25+$0x0] =	vst v3;
	v3 =	vld [tilespmem:s18+$0x3F0]  }
0x34: {  	s29 =	simm.s32 $0x80;
	s28 =	simm.s32 $0x100;
	[tilespmem:s19+$0xFFFFFC50] =	vst v10;
	v2 =	vld [tilespmem:s18+$0x420]  }
0x35: {  	s27 =	smov.u32 s19;
	s30 =	sand.u32 $0x300, s29;
	v7 =	vld [tilespmem:s18+$0xFFFFFFC0];
	[tilespmem:s19+$0xFFFFFC60] =	vst v11;
	s26 =	sadd.s32 $0x80, s18  }
.LBB1_4:
0x36: {  	p1 =	sne.s32 s28, $0x380;
	v8 =	vld [tilespmem:s26+$0xFFFFFFD0];
	s29 =	sand.u32 $0x80, s29;
	s30 =	sadd.s32 s30, s20;
	[tilespmem:s27+$0x0] =	vst v6  }
0x37: {  	s30 =	sadd.s32 s29, s30;
	v6 =	vld [tilespmem:s26+$0x430];
	[tilespmem:s27+$0x10] =	vst v5;
	s29 =	smov.u32 s28  }
0x38: {  	v5 =	vld.idx.msk [tilespmem:v0+s30+$0x400 ss:$0x1], $0xffff;
	[tilespmem:s27+$0x20] =	vst v3  }
0x39: {  	v3 =	vld [tilespmem:s26+$0xFFFFFFE0];
	[tilespmem:s27+$0x30] =	vst v4  }
0x3a: {  	v4 =	vld [tilespmem:s26+$0xFFFFFFF0];
	[tilespmem:s27+$0xFFFFFBF0] =	vst v7  }
0x3b: {  	v7 =	vld [tilespmem:s26+$0x0];
	[tilespmem:s27+$0x40] =	vst v1  }
0x3c: {  	v1 =	vld [tilespmem:s26+$0x10];
	[tilespmem:s27+$0x50] =	vst v2;
	s27 =	sadd.s32 $0x800, s27  }
0x3d: {  	s25 =	sadd.s32 $0x800, s25;
	v2 =	vld [tilespmem:s26+$0x20];
	[tilespmem:s27+$0x60] =	vst v6  }
0x3e: {  	v9 =	vld [tilespmem:s26+$0x30];
	[tilespmem:s25+$0x0] =	vst v5  }
0x3f: {  	[tilespmem:s27+$0xFFFFFC00] =	vst v8;
	v6 =	vld [tilespmem:s26+$0x3D0]  }
0x40: {  	[tilespmem:s27+$0xFFFFFC10] =	vst v3;
	v5 =	vld [tilespmem:s26+$0x3E0]  }
.Ltmp3:
0x41: {  	[tilespmem:s27+$0xFFFFFC20] =	vst v4;
	v3 =	vld [tilespmem:s26+$0x3F0];
	(pc) =	sbr.rel @p1 .LBB1_4-.Ltmp3, $4  }
0x42: {  	[tilespmem:s27+$0xFFFFFC30] =	vst v7;
	v4 =	vld [tilespmem:s26+$0x400]  }
0x43: {  	[tilespmem:s27+$0xFFFFFC40] =	vst v1;
	v1 =	vld [tilespmem:s26+$0x410]  }
0x44: {  	[tilespmem:s27+$0xFFFFFC50] =	vst v2;
	v2 =	vld [tilespmem:s26+$0x420]  }
0x45: {  	s28 =	sadd.s32 $0x80, s28;
	s30 =	sand.u32 $0x300, s29;
	v7 =	vld [tilespmem:s26+$0xFFFFFFC0];
	[tilespmem:s27+$0xFFFFFC60] =	vst v9;
	s26 =	sadd.s32 $0x80, s26  }
0x46: {  	[tilespmem:s27+$0x0] =	vst v6  }
0x47: {  	[tilespmem:s27+$0x10] =	vst v5  }
0x48: {  	v49 =	vld [tilespmem:s26+$0x430];
	[tilespmem:s27+$0x20] =	vst v3  }
0x49: {  	v50 =	vld [tilespmem:s26+$0xFFFFFFD0];
	[tilespmem:s27+$0x30] =	vst v4  }
0x4a: {  	v51 =	vld [tilespmem:s26+$0xFFFFFFE0];
	[tilespmem:s27+$0x40] =	vst v1  }
0x4b: {  	v52 =	vld [tilespmem:s26+$0xFFFFFFF0];
	[tilespmem:s27+$0x50] =	vst v2  }
0x4c: {  	s31 =	sadd.s32 $0x800, s27;
	v53 =	vld [tilespmem:s26+$0x0];
	[tilespmem:s27+$0xFFFFFBF0] =	vst v7  }
0x4d: {  	v54 =	vld [tilespmem:s26+$0x10];
	[tilespmem:s31+$0x60] =	vst v49  }
0x4e: {  	v55 =	vld [tilespmem:s26+$0x20];
	[tilespmem:s31+$0xFFFFFC00] =	vst v50  }
0x4f: {  	v56 =	vld [tilespmem:s26+$0x30];
	[tilespmem:s31+$0xFFFFFC10] =	vst v51  }
0x50: {  	v57 =	vld [tilespmem:s26+$0x3D0];
	[tilespmem:s31+$0xFFFFFC20] =	vst v52  }
0x51: {  	v58 =	vld [tilespmem:s26+$0x3E0];
	[tilespmem:s31+$0xFFFFFC30] =	vst v53  }
0x52: {  	v59 =	vld [tilespmem:s26+$0x3F0];
	[tilespmem:s31+$0xFFFFFC40] =	vst v54  }
0x53: {  	v60 =	vld [tilespmem:s26+$0x400];
	[tilespmem:s31+$0xFFFFFC50] =	vst v55  }
0x54: {  	v61 =	vld [tilespmem:s26+$0xFFFFFFC0];
	[tilespmem:s31+$0xFFFFFC60] =	vst v56  }
0x55: {  	s28 =	sand.u32 $0x80, s29;
	s30 =	sadd.s32 s30, s20;
	v62 =	vld [tilespmem:s26+$0x410];
	[tilespmem:s31+$0x0] =	vst v57  }
0x56: {  	v63 =	vld [tilespmem:s26+$0x420];
	s24 =	sadd.s32 $0x1, s24;
	s28 =	sadd.s32 s28, s30;
	[tilespmem:s31+$0x10] =	vst v58  }
0x57: {  	p1 =	sne.s32 s24, $0x8;
	v0 =	vld.idx.msk [tilespmem:v0+s28+$0x400 ss:$0x1], $0xffff;
	[tilespmem:s31+$0x20] =	vst v59  }
.Ltmp4:
0x58: {  	[tilespmem:s31+$0x30] =	vst v60;
	(pc) =	sbr.rel @p1 .LBB1_3-.Ltmp4, $4  }
0x59: {  	[tilespmem:s31+$0xFFFFFBF0] =	vst v61  }
0x5a: {  	[tilespmem:s31+$0x40] =	vst v62  }
0x5b: {  	s25 =	sadd.s32 $0x800, s25;
	s18 =	sadd.s32 $0x800, s18;
	[tilespmem:s31+$0x50] =	vst v63  }
0x5c: {  	s23 =	sadd.s32 $0x80, s23;
	p0 =	por !p0, !p0;
	s19 =	sadd.s32 $0x80, s19;
	[tilespmem:s25+$0x0] =	vst v0  }
0x5d: {  	s16 =	smul.u32 $0x3800, s16  }
.Ltmp5:
0x5e: {  	_ = 	snop;
	(pc) =	sbr.rel .LBB1_7-.Ltmp5, $4  }
0x5f: {  	s15 =	sshll.u32 s15, $0x9;
	s16 =	sadd.s32 s5, s16  }
0x60: {  	s14 =	sshll.u32 s14, $0x5;
	s15 =	sadd.s32 s15, s16  }
0x61: {  	s14 =	sadd.s32 s14, s15  }
0x62: {  	[hbm4b:s14+s8] =	stream.strided.scatter [tilespmem:s17], [sflag:$0x2], $0x4000, s9, s8, $0x38;
	[tilespmem:$0x10000] =	vst v63  }
.LBB1_8:
0x63: {  	_ =	sfence.sel $0x180000  }
0x64: {  	s2 =	simm.s32 $0x1;
	[bflag:$0x0] =	sbarrier.arrive $0xFFFF  }
0x65: {  	s31 =	simm.s32 $0x2;
	[sflag:s2] =	ssyncpa.u1 $0x1  }
0x66: {  	[sflag:s31] =	ssyncpa.u1 $0x1  }
0x67: {  	p0 =	sne.s32 s0, $0x0;
	_ =	strace $0x9000004A  }
0x68: {  	s0 =	sadd.s32 @!p0 $0x100000, s1;
	[bflag:$0x2] =	sbarrier.arrive $0xFFFF  }
0x69: {  	[sflag:s0] =	ssyncadd.tile.s32 @!p0 $0x1;
	_ =	shalt  }
.Lfunc_end1:
_tile_overlayer_lowered:
.L_overlay_start_2:
0x6a: {  	(tag) =	ssettag $0x2  }
0x6b: {  	s0 =	rddreg [dreg:$0x0];
	s2 =	stileid.u32  }
0x6c: {  	s1 =	rddreg [dreg:$0x1];
	p0 =	sne.s32 s2, $0x0  }
0x6d: {  	s3 =	rddreg [dreg:$0x2];
	[bflag:$0x3] =	sbarrier.arrive $0xFFFF;
	s2 =	simm.s32 @!p0 $0x1C01  }
0x6e: {  	[timem:s3], [sflag:s2] =	dma.local @!p0 [hbm:s0], s1  }
0x6f: {  	s0 =	simm.s32 @!p0 $0x1  }
0x70: {  	_ =	swait.ge @!p0 [sflag:s0], s1  }
0x71: {  	s1 =	ssub.s32 @!p0 $0x0, s1;
	[sflag:s0] =	ssyncset.done @!p0 $0x0  }
0x72: {  	[sflag:s0] =	ssyncadd.s32 @!p0 s1  }
0x73: {  	[bflag:$0x3] =	sbarrier.arrive $0xFFFF  }
0x74: {  	_ =	shalt  }

// kernel: sparse-core-data-format-call.3.cloned.1.call-start
scs
called_computation.3_lowered:
.L_overlay_start_0:
0x0: {  	s1 =	sld [smem:$0x3FD9]  }
0x1: {  	s2 =	sld [smem:$0x3FFE];
	_ =	sdelay $0x1  }
0x2: {  	s3 =	srdreg.scid  }
0x3: {  	s0 =	sand.u32 $0x1, s3  }
0x4: {  	s17 =	sshll.u32 s0, $0xA;
	s1 =	sadd.s32 s2, s1  }
0x5: {  	s1 =	sadd.s32 s1, s17  }
0x6: {  	[smem:$0x3FB9] =	sst s1  }
0x7: {  	_ = 	snop  }
0x8: {  	(tm) =	ssettm $0x1  }
0x9: {  	s18 =	sld [smem:$0x3FFB];
	_ =	sdelay $0x3  }
0xa: {  	_ =	strace s18  }
0xb: {  	s1 =	sld [smem:$0x3FFC];
	_ =	sdelay $0x3  }
0xc: {  	_ =	strace s1  }
0xd: {  	s1 =	sld [smem:$0x3FFD];
	_ =	sdelay $0x3  }
0xe: {  	_ =	strace s1  }
0xf: {  	_ =	strace $0x8FFFFFFF  }
0x10: {  	s19 =	sld [smem:$0x3FDB];
	_ =	sdelay $0x1  }
0x11: {  	s20 =	simm.s32 $_scs_section_size  }
0x12: {  	s4 =	simm.s32 $_size__tile_overlayer_lowered;
	s5 =	simm.s32 $_tile_overlayer_lowered  }
0x13: {  	s23 =	simm.s32 $0x1BFF;
	s22 =	sshll.u32 s5, $0x1;
	s1 =	sadd.s32 s20, s19  }
0x14: {  	s6 =	simm.s32 $0x0;
	s21 =	sshll.u32 s4, $0x1;
	s4 =	sadd.s32 s22, s1  }
0x15: {  	[timem:s6], [sflag:s23] =	dma.local [hbm:s4], s21  }
0x16: {  	_ =	swait.ge [sflag:s23], s21  }
0x17: {  	s2 =	ssub.s32 $0x0, s21;
	[sflag:s23] =	ssyncset.done $0x0  }
0x18: {  	[sflag:s23] =	ssyncadd.s32 s2;
	_ =	sdelay $0x1  }
0x19: {  	s24 =	simm.s32 $0x1B8B  }
0x1a: {  	_ =	swait.ge [sflag:s24], $0x1  }
0x1b: {  	[sflag:s24] =	ssyncset.done $0x0  }
0x1c: {  	s26 =	simm.s32 $0x1B8E;
	s25 =	sld [smem:$0x3FFE];
	[sflag:s24] =	ssyncadd.s32 $0xFFFFFFFF  }
0x1d: {  	s27 =	simm.s32 $execute0_lowered;
	[smem:$0x3FD2] =	sst s26  }
0x1e: {  	s4 =	sshll.u32 s27, $0x1;
	_ =	strace $0x80000046;
	[dreg:$0x1] =	wrdreg $0xFFFFFFFF  }
0x1f: {  	s28 =	simm.s32 $_size_execute0_lowered;
	s1 =	sadd.s32 s1, s4;
	[dreg:$0x0] =	wrdreg $0x0  }
0x20: {  	s4 =	sshll.u32 s28, $0x1;
	[dreg:$0x2] =	wrdreg s1  }
0x21: {  	[dreg:$0x3] =	wrdreg s4  }
0x22: {  	[dreg:$0x4] =	wrdreg $0xC0  }
0x23: {  	_ =	task [dreg:s6], $0x5FFFF  }
0x24: {  	[dreg:$0x1] =	wrdreg $0xFFFFFFFF  }
0x25: {  	[dreg:$0x0] =	wrdreg $0x60  }
0x26: {  	[dreg:$0x2] =	wrdreg s25  }
0x27: {  	[dreg:$0x3] =	wrdreg $0x9  }
0x28: {  	_ =	task.clear_ibuf [dreg:s6], $0x4FFFF;
	_ =	strace $0x90000046  }
0x29: {  	s29 =	simm.s32 $0x9;
	_ =	strace $0x80000048  }
0x2a: {  	_ =	swait.ge [sflag:s29], $0x1  }
0x2b: {  	[sflag:s29] =	ssyncadd.s32 $0xFFFFFFFF  }
0x2c: {  	_ =	strace $0x90000048  }
0x2d: {  	_ =	sfence  }
0x2e: {  	s30 =	sld [smem:$0x0];
	_ =	sdelay $0x2  }
0x2f: {  	s31 =	sshll.u32 s3, $0xD;
	s3 =	sshrl.u32 s3, $0x2  }
0x30: {  	s2 =	sand.u32 $0x4000, s31;
	s1 =	sadd.s32 s3, s30  }
0x31: {  	s0 =	sor.u32 s2, s0;
	s1 =	sshll.u32 s1, $0x11  }
0x32: {  	s0 =	sor.u32 s1, s0  }
0x33: {  	s0 =	sadd.s32 $0x8F2B, s0  }
0x34: {  	[sflag:s0] =	ssyncadd.remote.s32 $0x1  }
0x35: {  	_ =	sfence.sel $0xFFFF  }
0x36: {  	[dreg:$0x0] =	wrdreg $0xFFFFFFFF;
	(pc) =	sbr.abs _section_cstart, $3  }
0x37: {  	[dreg:$0x1] =	wrdreg $0xFFFFFFFF  }
0x38: {  	_ =	task.clear_ibuf [dreg:s6], $0x2FFFF;
	_ =	strace $0x9FFFFFFF  }
0x39: {  	(tm) =	ssettm $0x7FFFFFFF  }
tec
execute0_lowered:
.L_overlay_start_1:
0x0: {  	(tag) =	ssettag $0x1  }
0x1: {  	s4 =	rddreg [dreg:$0x0]  }
0x2: {  	s0 =	rddreg [dreg:$0x1]  }
0x3: {  	s1 =	stileid.u32;
	_ =	strace $0x80000047;
	s5 =	srdreg.scid  }
0x4: {  	s8 =	simm.s32 $0x2;
	s17 =	simm.s32 $0x0;
	p0 =	por $0x0, $0x0  }
0x5: {  	s9 =	simm.s32 $0x1800;
	s15 =	simm.s32 $0x0;
	s18 =	simm.s32 $0x0  }
0x6: {  	s16 =	simm.s32 $0x0;
	s10 =	simm.s32 $0x0;
	s12 =	simm.s32 $0x0  }
0x7: {  	s14 =	simm.s32 $0x0;
	s2 =	sand.u32 $0x7, s1;
	s3 =	sadd.s32 $0x9600, s4  }
.Ltmp0:
0x8: {  	s5 =	sshll.u32 s5, $0x4;
	s6 =	ssub.s32 $0x23, s2;
	(pc) =	sbr.rel .LBB1_1-.Ltmp0, $4  }
0x9: {  	s4 =	sadd.s32 $0x939600, s4;
	s7 =	sand.u32 $0x10, s5;
	s6 =	sshrl.u32 s6, $0x3  }
0xa: {  	s5 =	simm.s32 $0x1;
	s7 =	sor.u32 s1, s7;
	s6 =	smul.u32 $0x2A, s6  }
0xb: {  	s13 =	smov.u32 s2;
	[sflag:s5] =	ssyncpa.u1 $0x0;
	s7 =	sshrl.u32 s7, $0x3  }
0xc: {  	[sflag:s8] =	ssyncpa.u1 $0x0;
	s11 =	smov.u32 s7;
	s8 =	sor.u32 $0x1, s6  }
.LBB1_4:
0xd: {  	s22 =	sshrl.u32 s18, $0x3  }
0xe: {  	s23 =	sshll.u32 s17, $0x3;
	s22 =	smul.u32 $0x1800, s22  }
0xf: {  	s26 =	sshll.u32 s18, $0x7;
	s23 =	sand.u32 $0xFFFFFC00, s23  }
0x10: {  	s18 =	sand.u32 $0x380, s26;
	s22 =	sadd.s32 s22, s23  }
0x11: {  	[tilespmem:v0+s21+$0xFFFFFFD0 ss:$0x1] =	vst.idx.msk $0xffff, v6;
	s18 =	sor.u32 s18, s22  }
0x12: {  	v56 =	vld.idx.msk [tilespmem:v1+s20+$0x0 ss:$0x1], $0xffff;
	[tilespmem:v0+s21+$0xFFFFFFE0 ss:$0x1] =	vst.idx.msk $0xffff, v5;
	s22 =	smulhi.u32 $0xAAAAAAAB, s18  }
0x13: {  	v57 =	vld.idx.msk [tilespmem:v1+s20+$0xFFFFFF90 ss:$0x1], $0xffff;
	[tilespmem:v0+s21+$0xFFFFFFF0 ss:$0x1] =	vst.idx.msk $0xffff, v4  }
0x14: {  	s27 =	sand.u32 $0x7F, s17;
	v58 =	vld.idx.msk [tilespmem:v1+s20+$0xFFFFFFA0 ss:$0x1], $0xffff;
	[tilespmem:v0+s21+$0x0 ss:$0x1] =	vst.idx.msk $0xffff, v3;
	s22 =	sshrl.u32 s22, $0x9  }
0x15: {  	v59 =	vld.idx.msk [tilespmem:v1+s20+$0xFFFFFFB0 ss:$0x1], $0xffff;
	[tilespmem:v0+s21+$0x10 ss:$0x1] =	vst.idx.msk $0xffff, v2;
	s17 =	sor.u32 s27, s18;
	s28 =	smulhi.u32 $0x924925, s22  }
0x16: {  	[tilespmem:v0+s21+$0x20 ss:$0x1] =	vst.idx.msk $0xffff, v7;
	v60 =	vld.idx.msk [tilespmem:v1+s20+$0xFFFFFFC0 ss:$0x1], $0xffff;
	s18 =	smulhi.u32 $0xAAAAAAAB, s17  }
0x17: {  	v61 =	vld.idx.msk [tilespmem:v1+s20+$0xFFFFFFD0 ss:$0x1], $0xffff;
	s16 =	smul.u32 $0x54000, s16;
	[tilespmem:v0+s20+$0x30 ss:$0x1] =	vst.idx.msk $0xffff, v56;
	s29 =	sshrl.u32 s28, $0x1  }
0x18: {  	v62 =	vld.idx.msk [tilespmem:v1+s20+$0xFFFFFFE0 ss:$0x1], $0xffff;
	[tilespmem:v0+s20+$0xFFFFFFC0 ss:$0x1] =	vst.idx.msk $0xffff, v57;
	s18 =	sshrl.u32 s18, $0x9;
	s21 =	smul.u32 $0x380, s29  }
0x19: {  	v63 =	vld.idx.msk [tilespmem:v1+s20+$0xFFFFFFF0 ss:$0x1], $0xffff;
	[tilespmem:v0+s20+$0xFFFFFFD0 ss:$0x1] =	vst.idx.msk $0xffff, v58;
	s18 =	smul.u32 $0x300, s18  }
0x1a: {  	s15 =	smul.u32 $0x15000, s15;
	[tilespmem:v0+s20+$0xFFFFFFE0 ss:$0x1] =	vst.idx.msk $0xffff, v59;
	s21 =	ssub.s32 s22, s21  }
0x1b: {  	s16 =	sadd.s32 s4, s16;
	[tilespmem:v0+s20+$0xFFFFFFF0 ss:$0x1] =	vst.idx.msk $0xffff, v60;
	s17 =	ssub.s32 s17, s18;
	s30 =	smul.u32 $0x60, s21  }
0x1c: {  	s15 =	sadd.s32 s15, s16;
	[tilespmem:v0+s20+$0x0 ss:$0x1] =	vst.idx.msk $0xffff, v61;
	s31 =	sand.u32 $0x7, s17  }
0x1d: {  	[tilespmem:v0+s20+$0x10 ss:$0x1] =	vst.idx.msk $0xffff, v62;
	s17 =	sshrl.u32 s17, $0x3;
	s16 =	sshll.u32 s31, $0x12;
	s15 =	sadd.s32 s30, s15  }
0x1e: {  	[tilespmem:v0+s20+$0x20 ss:$0x1] =	vst.idx.msk $0xffff, v63;
	s16 =	sor.u32 $0x400, s16;
	s15 =	sadd.s32 s17, s15  }
0x1f: {  	[hbm4b:s15+s16] =	stream.strided.scatter [tilespmem:s19], [sflag:$0x2], $0x4000, s9, s16, $0x38;
	[tilespmem:$0x10000] =	vst v63  }
.LBB1_5:
0x20: {  	s19 =	sadd.s32 $0x80, s10  }
0x21: {  	s15 =	sadd.s32 $0x4, s11;
	s20 =	smov.u32 s11;
	p2 =	sgt.s32 s19, $0x2FF  }
0x22: {  	s20 =	smov.u32 @p2 s15  }
0x23: {  	s21 =	smov.u32 s12;
	s15 =	sadd.s32 $0x80, s12;
	p3 =	sgt.s32 s20, $0x3  }
0x24: {  	s21 =	smov.u32 @p3 s15  }
0x25: {  	s22 =	smov.u32 s13;
	s15 =	sadd.s32 $0x8, s13;
	p4 =	sgt.s32 s21, $0x37F  }
0x26: {  	p1 =	slt.u32 s14, $0x2;
	s22 =	smov.u32 @p4 s15  }
0x27: {  	s17 =	smov.u32 s10;
	s19 =	simm.s32 @p2 $0x0;
	p2 =	sgt.s32 s22, $0x1B  }
0x28: {  	s23 =	simm.s32 @!p1 $0x2;
	s22 =	smov.u32 @p2 s2;
	p2 =	sne.s32 s14, s8  }
.Ltmp1:
0x29: {  	s18 =	smov.u32 s12;
	_ =	swait.ge @!p1 [sflag:s23], $0x4000;
	(pc) =	sbr.rel @!p2 .LBB1_6-.Ltmp1, $4  }
0x2a: {  	s16 =	smov.u32 s13;
	p0 =	por !p0, !p0;
	[sflag:s23] =	ssyncset.done @!p1 $0x0  }
0x2b: {  	s10 =	smov.u32 s19;
	s20 =	smov.u32 @p3 s7;
	[sflag:s23] =	ssyncadd.s32 @!p1 $0xFFFFC000  }
0x2c: {  	s21 =	simm.s32 @p4 $0x0;
	s15 =	smov.u32 s11;
	s11 =	smov.u32 s20  }
0x2d: {  	s12 =	smov.u32 s21;
	s14 =	sadd.s32 $0x1, s14;
	s13 =	smov.u32 s22  }
.LBB1_1:
0x2e: {  	p1 =	sge.u32 s14, s6  }
0x2f: {  	s19 =	sshrl.u32 @!p1 s11, $0x2  }
0x30: {  	s20 =	sshll.u32 @!p1 s10, $0x2;
	s19 =	smul.u32 @!p1 $0xC00, s19  }
0x31: {  	s21 =	sshll.u32 @!p1 s11, $0x7;
	s20 =	sand.u32 @!p1 $0xFFFFFE00, s20  }
0x32: {  	s19 =	sadd.s32 @!p1 s19, s20;
	s20 =	sand.u32 @!p1 $0x180, s21  }
0x33: {  	s21 =	sand.u32 @!p1 $0x7F, s10;
	s19 =	sor.u32 @!p1 s20, s19  }
0x34: {  	s20 =	sor.u32 @!p1 s21, s19  }
0x35: {  	s21 =	smulhi.u32 @!p1 $0xAAAAAAAB, s20  }
0x36: {  	s19 =	smulhi.u32 @!p1 $0xAAAAAAAB, s19  }
0x37: {  	s31 =	sadd.s32 $0xFFFFFFFF, s14;
	s23 =	smul.u32 @!p1 $0x54000, s13;
	s21 =	sshrl.u32 @!p1 s21, $0x9  }
0x38: {  	s22 =	sxor.u32 @!p1 $0xFFFFFFFF, s14;
	s19 =	sshrl.u32 @!p1 s19, $0x9;
	s21 =	smul.u32 @!p1 $0x300, s21  }
0x39: {  	s24 =	smul.u32 @!p1 $0x180, s12;
	s22 =	sshll.u32 @!p1 s22, $0xE;
	s19 =	sand.u32 @!p1 $0x3, s19  }
0x3a: {  	s19 =	smul.u32 @!p1 $0x60, s19;
	s20 =	ssub.s32 @!p1 s20, s21;
	s21 =	sadd.s32 @!p1 s3, s23  }
0x3b: {  	s22 =	sand.u32 @!p1 $0x4000, s22;
	s21 =	sadd.s32 @!p1 s24, s21;
	s23 =	sand.u32 @!p1 $0x7, s20  }
0x3c: {  	s20 =	sshrl.u32 @!p1 s20, $0x3;
	s19 =	sadd.s32 @!p1 s19, s21;
	s21 =	sshll.u32 @!p1 s23, $0x12  }
0x3d: {  	s19 =	sadd.s32 @!p1 s20, s19;
	s20 =	sor.u32 @!p1 $0x80, s21;
	s21 =	simm.s32 @!p1 $0xC00  }
0x3e: {  	[tilespmem:s22], [sflag:$0x1] =	stream.strided.gather @!p1 [hbm4b:s19+s20], $0x4000, s21, s20, $0x38;
	[tilespmem:$0x10000] =	vst v63  }
0x3f: {  	p1 =	sge.u32 s31, s6  }
.Ltmp2:
0x40: {  	_ = 	snop;
	(pc) =	sbr.rel @p1 .LBB1_5-.Ltmp2, $1  }
0x41: {  	_ =	sdelay $0x3  }
0x42: {  	s19 =	simm.s32 $0x1  }
0x43: {  	s19 =	simm.s32 @!p0 $0x0  }
0x44: {  	s19 =	sshll.u32 s19, $0xE  }
0x45: {  	s20 =	sor.u32 $0x70, s19  }
0x46: {  	v1 =	vmov s20;
	_ =	sdelay $0x1  }
0x47: {  	_ =	swait.ge [sflag:s5], $0x4000  }
0x48: {  	[sflag:s5] =	ssyncset.done $0x0  }
0x49: {  	s21 =	simm.s32 $0x0;
	[sflag:s5] =	ssyncadd.s32 $0xFFFFC000  }
0x4a: {  	s19 =	sor.u32 $0x8040, s19;
	v7 =	vld.idx.msk [tilespmem:v1+s21+$0x0 ss:$0x1], $0xffff  }
0x4b: {  	v0 =	vmov s19;
	v8 =	vld.idx.msk [tilespmem:v1+s21+$0xFFFFFF90 ss:$0x1], $0xffff  }
0x4c: {  	v6 =	vld.idx.msk [tilespmem:v1+s21+$0xFFFFFFA0 ss:$0x1], $0xffff  }
0x4d: {  	v5 =	vld.idx.msk [tilespmem:v1+s21+$0xFFFFFFB0 ss:$0x1], $0xffff  }
0x4e: {  	v4 =	vld.idx.msk [tilespmem:v1+s21+$0xFFFFFFC0 ss:$0x1], $0xffff  }
0x4f: {  	s31 =	sshll.u32 s14, $0xE;
	v3 =	vld.idx.msk [tilespmem:v1+s21+$0xFFFFFFD0 ss:$0x1], $0xffff  }
0x50: {  	s19 =	sand.u32 $0x4000, s31;
	v2 =	vld.idx.msk [tilespmem:v1+s21+$0xFFFFFFE0 ss:$0x1], $0xffff;
	[tilespmem:v0+s21+$0x30 ss:$0x1] =	vst.idx.msk $0xffff, v7  }
0x51: {  	s22 =	simm.s32 $0x400;
	s20 =	simm.s32 $0x80;
	s19 =	sor.u32 $0x8000, s19;
	[tilespmem:v0+s21+$0xFFFFFFC0 ss:$0x1] =	vst.idx.msk $0xffff, v8;
	v7 =	vld.idx.msk [tilespmem:v1+s21+$0xFFFFFFF0 ss:$0x1], $0xffff  }
.LBB1_3:
0x52: {  	p1 =	sne.s32 s22, $0xFE00;
	v8 =	vld.idx.msk [tilespmem:v1+s20+$0x0 ss:$0x1], $0xffff;
	[tilespmem:v0+s21+$0xFFFFFFD0 ss:$0x1] =	vst.idx.msk $0xffff, v6  }
0x53: {  	v9 =	vld.idx.msk [tilespmem:v1+s20+$0xFFFFFF90 ss:$0x1], $0xffff;
	[tilespmem:v0+s21+$0xFFFFFFE0 ss:$0x1] =	vst.idx.msk $0xffff, v5  }
0x54: {  	v6 =	vld.idx.msk [tilespmem:v1+s20+$0xFFFFFFA0 ss:$0x1], $0xffff;
	[tilespmem:v0+s21+$0xFFFFFFF0 ss:$0x1] =	vst.idx.msk $0xffff, v4  }
.Ltmp3:
0x55: {  	v5 =	vld.idx.msk [tilespmem:v1+s20+$0xFFFFFFB0 ss:$0x1], $0xffff;
	[tilespmem:v0+s21+$0x0 ss:$0x1] =	vst.idx.msk $0xffff, v3;
	(pc) =	sbr.rel @p1 .LBB1_3-.Ltmp3, $4  }
0x56: {  	v4 =	vld.idx.msk [tilespmem:v1+s20+$0xFFFFFFC0 ss:$0x1], $0xffff;
	[tilespmem:v0+s21+$0x10 ss:$0x1] =	vst.idx.msk $0xffff, v2  }
0x57: {  	v3 =	vld.idx.msk [tilespmem:v1+s20+$0xFFFFFFD0 ss:$0x1], $0xffff;
	[tilespmem:v0+s21+$0x20 ss:$0x1] =	vst.idx.msk $0xffff, v7;
	s21 =	smov.u32 s20  }
0x58: {  	v2 =	vld.idx.msk [tilespmem:v1+s21+$0xFFFFFFE0 ss:$0x1], $0xffff;
	[tilespmem:v0+s21+$0x30 ss:$0x1] =	vst.idx.msk $0xffff, v8  }
0x59: {  	s20 =	sshra.s32 s22, $0x2;
	s22 =	sadd.s32 $0x200, s22;
	[tilespmem:v0+s21+$0xFFFFFFC0 ss:$0x1] =	vst.idx.msk $0xffff, v9;
	v7 =	vld.idx.msk [tilespmem:v1+s21+$0xFFFFFFF0 ss:$0x1], $0xffff  }
.Ltmp4:
0x5a: {  	_ = 	snop;
	(pc) =	sbr.rel .LBB1_4-.Ltmp4, $1  }
0x5b: {  	_ =	sdelay $0x3  }
.LBB1_6:
0x5c: {  	_ =	sfence.sel $0x180000  }
0x5d: {  	s2 =	simm.s32 $0x1;
	[bflag:$0x0] =	sbarrier.arrive $0xFFFF  }
0x5e: {  	s31 =	simm.s32 $0x2;
	[sflag:s2] =	ssyncpa.u1 $0x1  }
0x5f: {  	[sflag:s31] =	ssyncpa.u1 $0x1  }
0x60: {  	p0 =	sne.s32 s1, $0x0;
	_ =	strace $0x90000047  }
0x61: {  	s0 =	sadd.s32 @!p0 $0x100000, s0;
	[bflag:$0x2] =	sbarrier.arrive $0xFFFF  }
0x62: {  	[sflag:s0] =	ssyncadd.tile.s32 @!p0 $0x1;
	_ =	shalt  }
.Lfunc_end1:
_tile_overlayer_lowered:
.L_overlay_start_2:
0x63: {  	(tag) =	ssettag $0x2  }
0x64: {  	s0 =	rddreg [dreg:$0x0];
	s2 =	stileid.u32  }
0x65: {  	s1 =	rddreg [dreg:$0x1];
	p0 =	sne.s32 s2, $0x0  }
0x66: {  	s3 =	rddreg [dreg:$0x2];
	[bflag:$0x3] =	sbarrier.arrive $0xFFFF;
	s2 =	simm.s32 @!p0 $0x1C01  }
0x67: {  	[timem:s3], [sflag:s2] =	dma.local @!p0 [hbm:s0], s1  }
0x68: {  	s0 =	simm.s32 @!p0 $0x1  }
0x69: {  	_ =	swait.ge @!p0 [sflag:s0], s1  }
0x6a: {  	s1 =	ssub.s32 @!p0 $0x0, s1;
	[sflag:s0] =	ssyncset.done @!p0 $0x0  }
0x6b: {  	[sflag:s0] =	ssyncadd.s32 @!p0 s1  }
0x6c: {  	[bflag:$0x3] =	sbarrier.arrive $0xFFFF  }
0x6d: {  	_ =	shalt  }

// kernel: sparse-core-data-format-call.cloned.1.call-start
scs
called_computation_lowered:
.L_overlay_start_0:
0x0: {  	s1 =	sld [smem:$0x3FD9]  }
0x1: {  	s2 =	sld [smem:$0x3FFE];
	_ =	sdelay $0x1  }
0x2: {  	s3 =	srdreg.scid  }
0x3: {  	s0 =	sand.u32 $0x1, s3  }
0x4: {  	s17 =	sshll.u32 s0, $0xA;
	s1 =	sadd.s32 s2, s1  }
0x5: {  	s1 =	sadd.s32 s1, s17  }
0x6: {  	[smem:$0x3FB9] =	sst s1  }
0x7: {  	_ = 	snop  }
0x8: {  	(tm) =	ssettm $0x1  }
0x9: {  	s18 =	sld [smem:$0x3FFB];
	_ =	sdelay $0x3  }
0xa: {  	_ =	strace s18  }
0xb: {  	s1 =	sld [smem:$0x3FFC];
	_ =	sdelay $0x3  }
0xc: {  	_ =	strace s1  }
0xd: {  	s1 =	sld [smem:$0x3FFD];
	_ =	sdelay $0x3  }
0xe: {  	_ =	strace s1  }
0xf: {  	_ =	strace $0x8FFFFFFF  }
0x10: {  	s19 =	sld [smem:$0x3FDB];
	_ =	sdelay $0x1  }
0x11: {  	s20 =	simm.s32 $_scs_section_size  }
0x12: {  	s4 =	simm.s32 $_size__tile_overlayer_lowered;
	s5 =	simm.s32 $_tile_overlayer_lowered  }
0x13: {  	s23 =	simm.s32 $0x1BFF;
	s22 =	sshll.u32 s5, $0x1;
	s1 =	sadd.s32 s20, s19  }
0x14: {  	s6 =	simm.s32 $0x0;
	s21 =	sshll.u32 s4, $0x1;
	s4 =	sadd.s32 s22, s1  }
0x15: {  	[timem:s6], [sflag:s23] =	dma.local [hbm:s4], s21  }
0x16: {  	_ =	swait.ge [sflag:s23], s21  }
0x17: {  	s2 =	ssub.s32 $0x0, s21;
	[sflag:s23] =	ssyncset.done $0x0  }
0x18: {  	[sflag:s23] =	ssyncadd.s32 s2;
	_ =	sdelay $0x1  }
0x19: {  	s24 =	simm.s32 $0x1B8B  }
0x1a: {  	_ =	swait.ge [sflag:s24], $0x1  }
0x1b: {  	[sflag:s24] =	ssyncset.done $0x0  }
0x1c: {  	s26 =	simm.s32 $0x1B8E;
	s25 =	sld [smem:$0x3FFE];
	[sflag:s24] =	ssyncadd.s32 $0xFFFFFFFF  }
0x1d: {  	s27 =	simm.s32 $execute0_lowered;
	[smem:$0x3FD2] =	sst s26  }
0x1e: {  	s4 =	sshll.u32 s27, $0x1;
	_ =	strace $0x80000059;
	[dreg:$0x1] =	wrdreg $0xFFFFFFFF  }
0x1f: {  	s28 =	simm.s32 $_size_execute0_lowered;
	s1 =	sadd.s32 s1, s4;
	[dreg:$0x0] =	wrdreg $0x0  }
0x20: {  	s4 =	sshll.u32 s28, $0x1;
	[dreg:$0x2] =	wrdreg s1  }
0x21: {  	[dreg:$0x3] =	wrdreg s4  }
0x22: {  	[dreg:$0x4] =	wrdreg $0xC0  }
0x23: {  	_ =	task [dreg:s6], $0x5FFFF  }
0x24: {  	[dreg:$0x1] =	wrdreg $0xFFFFFFFF  }
0x25: {  	[dreg:$0x0] =	wrdreg $0x60  }
0x26: {  	[dreg:$0x2] =	wrdreg s25  }
0x27: {  	[dreg:$0x3] =	wrdreg $0x9  }
0x28: {  	_ =	task.clear_ibuf [dreg:s6], $0x4FFFF;
	_ =	strace $0x90000059  }
0x29: {  	s29 =	simm.s32 $0x9;
	_ =	strace $0x8000005B  }
0x2a: {  	_ =	swait.ge [sflag:s29], $0x1  }
0x2b: {  	[sflag:s29] =	ssyncadd.s32 $0xFFFFFFFF  }
0x2c: {  	_ =	strace $0x9000005B  }
0x2d: {  	_ =	sfence  }
0x2e: {  	s30 =	sld [smem:$0x0];
	_ =	sdelay $0x2  }
0x2f: {  	s31 =	sshll.u32 s3, $0xD;
	s3 =	sshrl.u32 s3, $0x2  }
0x30: {  	s2 =	sand.u32 $0x4000, s31;
	s1 =	sadd.s32 s3, s30  }
0x31: {  	s0 =	sor.u32 s2, s0;
	s1 =	sshll.u32 s1, $0x11  }
0x32: {  	s0 =	sor.u32 s1, s0  }
0x33: {  	s0 =	sadd.s32 $0x8F2B, s0  }
0x34: {  	[sflag:s0] =	ssyncadd.remote.s32 $0x1  }
0x35: {  	_ =	sfence.sel $0xFFFF  }
0x36: {  	[dreg:$0x0] =	wrdreg $0xFFFFFFFF;
	(pc) =	sbr.abs _section_cstart, $3  }
0x37: {  	[dreg:$0x1] =	wrdreg $0xFFFFFFFF  }
0x38: {  	_ =	task.clear_ibuf [dreg:s6], $0x2FFFF;
	_ =	strace $0x9FFFFFFF  }
0x39: {  	(tm) =	ssettm $0x7FFFFFFF  }
tec
execute0_lowered:
.L_overlay_start_1:
0x0: {  	(tag) =	ssettag $0x1  }
0x1: {  	s0 =	srdreg.scid;
	s8 =	stileid.u32  }
0x2: {  	s5 =	rddreg [dreg:$0x0];
	_ =	strace $0x8000005A;
	s30 =	simm.s32 $0x1  }
0x3: {  	s31 =	simm.s32 $0x2;
	s20 =	simm.s32 $0x0;
	s0 =	sshll.u32 s0, $0x2  }
0x4: {  	s13 =	simm.s32 $0x0;
	s2 =	sand.u32 $0x1, s8;
	s3 =	sand.u32 $0x4, s0  }
0x5: {  	s21 =	simm.s32 $0x0;
	s28 =	ssub.s32 $0x2, s2;
	s1 =	ssub.s32 $0x38, s3  }
0x6: {  	s22 =	simm.s32 $0x0;
	s4 =	sshrl.u32 s28, $0x1;
	s6 =	sshrl.u32 s1, $0x2  }
0x7: {  	s0 =	sand.u32 $0x1, s28;
	s1 =	sshrl.u32 s1, $0x3;
	s6 =	sand.u32 $0x1, s6  }
0x8: {  	s23 =	simm.s32 $0x0;
	s0 =	sadd.s32 s0, s4;
	s1 =	sadd.s32 s1, s6  }
0x9: {  	s24 =	simm.s32 $0x0;
	s14 =	simm.s32 $0x0;
	s0 =	smul.u32 s1, s0  }
.Ltmp0:
0xa: {  	s17 =	simm.s32 $0x0;
	s19 =	simm.s32 $0x0;
	(pc) =	sbr.rel .LBB1_1-.Ltmp0, $4  }
0xb: {  	s29 =	sadd.s32 $0x37BA00, s5;
	[sflag:s30] =	ssyncpa.u1 $0x0;
	s8 =	sshrl.u32 s8, $0x1  }
0xc: {  	s9 =	sadd.s32 $0x12FA00, s5;
	[dreg:$0x2] =	wrdreg s29;
	s7 =	smul.u32 $0x7, s0  }
0xd: {  	[sflag:s31] =	ssyncpa.u1 $0x0;
	s16 =	smov.u32 s8;
	s18 =	smov.u32 s2  }
0xe: {  	s15 =	smov.u32 s3;
	s4 =	sadd.s32 $0x6BA00, s5;
	s10 =	sadd.s32 $0x1, s7  }
.LBB1_9:
0xf: {  	s0 =	sadd.s32 $0x8, s14  }
0x10: {  	s1 =	sadd.s32 $0x8, s15;
	s5 =	smov.u32 s15;
	p1 =	sgt.s32 s0, $0x37  }
0x11: {  	s5 =	smov.u32 @p1 s1  }
0x12: {  	s6 =	smov.u32 s16;
	s1 =	sadd.s32 $0x8, s16;
	p2 =	sgt.s32 s5, $0x37  }
0x13: {  	s6 =	smov.u32 @p2 s1  }
0x14: {  	s11 =	smov.u32 s17;
	s1 =	sadd.s32 $0x2, s17;
	p3 =	sgt.s32 s6, $0x7  }
0x15: {  	p0 =	slt.u32 s19, $0x2;
	s12 =	smov.u32 s18;
	s11 =	smov.u32 @p3 s1  }
0x16: {  	s20 =	smov.u32 s14;
	s1 =	sadd.s32 $0x2, s18;
	p4 =	sgt.s32 s11, $0x1  }
0x17: {  	s21 =	smov.u32 s15;
	s22 =	smov.u32 s16;
	s12 =	smov.u32 @p4 s1  }
0x18: {  	s23 =	smov.u32 s17;
	s0 =	simm.s32 @p1 $0x0;
	p1 =	sgt.s32 s12, $0x1  }
0x19: {  	s24 =	smov.u32 s18;
	s12 =	smov.u32 @p1 s2;
	p1 =	sne.s32 s19, s10  }
.Ltmp1:
0x1a: {  	s13 =	sadd.s32 $0x4000, s13;
	s5 =	smov.u32 @p2 s3;
	(pc) =	sbr.rel @!p1 .LBB1_10-.Ltmp1, $4  }
0x1b: {  	s14 =	smov.u32 s0;
	s15 =	smov.u32 s5;
	s1 =	simm.s32 @!p0 $0x2  }
0x1c: {  	s6 =	smov.u32 @p3 s8;
	s11 =	simm.s32 @p4 $0x0;
	_ =	swait.ge @!p0 [sflag:s1], $0x4000  }
0x1d: {  	s16 =	smov.u32 s6;
	s17 =	smov.u32 s11;
	[sflag:s1] =	ssyncset.done @!p0 $0x0  }
0x1e: {  	s19 =	sadd.s32 $0x1, s19;
	[sflag:s1] =	ssyncadd.s32 @!p0 $0xFFFFC000;
	s18 =	smov.u32 s12  }
.LBB1_1:
0x1f: {  	p0 =	sge.u32 s19, s7  }
0x20: {  	s0 =	sshll.u32 @!p0 s14, $0x8;
	s1 =	sshll.u32 @!p0 s14, $0x7;
	s5 =	smul.u32 @!p0 $0x188000, s18  }
0x21: {  	s6 =	smul.u32 @!p0 $0xC4000, s17;
	s0 =	sand.u32 @!p0 $0xFFFFF800, s0;
	s1 =	sand.u32 @!p0 $0x300, s1  }
0x22: {  	s11 =	smul.u32 @!p0 $0x18800, s16;
	s0 =	sor.u32 @!p0 s1, s0  }
0x23: {  	s25 =	sxor.u32 @!p0 $0xFFFFFFFF, s19;
	s26 =	smul.u32 @!p0 $0x700, s15;
	s0 =	sshrl.u32 @!p0 s0, $0x8  }
0x24: {  	s27 =	sshll.u32 @!p0 s14, $0x4;
	s28 =	simm.s32 @!p0 $0x3800;
	s1 =	smulhi.u32 @!p0 $0x4924925, s0  }
0x25: {  	s25 =	sshll.u32 @!p0 s25, $0xE;
	s12 =	sadd.s32 @!p0 s5, s6;
	s5 =	sadd.s32 @!p0 s5, s9  }
0x26: {  	s12 =	sadd.s32 @!p0 s4, s12;
	s5 =	sadd.s32 @!p0 s6, s5;
	s1 =	smul.u32 @!p0 $0x38, s1  }
0x27: {  	s25 =	sand.u32 @!p0 $0x4000, s25;
	s12 =	sadd.s32 @!p0 s11, s12;
	s5 =	sadd.s32 @!p0 s11, s5  }
0x28: {  	s12 =	sadd.s32 @!p0 s26, s12;
	s0 =	ssub.s32 @!p0 s0, s1;
	s1 =	sand.u32 @!p0 $0x10, s27  }
0x29: {  	s5 =	sadd.s32 @!p0 s26, s5;
	s0 =	sshll.u32 @!p0 s0, $0x5;
	s12 =	sadd.s32 @!p0 s1, s12  }
0x2a: {  	s27 =	simm.s32 @!p0 $0x800;
	s1 =	sadd.s32 @!p0 s1, s5;
	s12 =	sadd.s32 @!p0 s0, s12  }
0x2b: {  	[tilespmem:s25], [sflag:$0x1] =	stream.strided.gather @!p0 [hbm4b:s12+s27], $0x2000, s28, s27, $0x38;
	[tilespmem:$0x10000] =	vst v63  }
0x2c: {  	s31 =	sadd.s32 $0xFFFFFFFF, s19;
	s0 =	sadd.s32 @!p0 s0, s1;
	s1 =	sor.u32 @!p0 $0x2000, s25  }
0x2d: {  	[tilespmem:s1], [sflag:$0x1] =	stream.strided.gather @!p0 [hbm4b:s0+s27], $0x2000, s28, s27, $0x38;
	[tilespmem:$0x10000] =	vst v63  }
0x2e: {  	p0 =	sge.u32 s31, s7  }
.Ltmp2:
0x2f: {  	_ = 	snop;
	(pc) =	sbr.rel @p0 .LBB1_9-.Ltmp2, $1  }
0x30: {  	_ =	sdelay $0x3  }
0x31: {  	s0 =	sshll.u32 s13, $0x2;
	s5 =	simm.s32 $0x1  }
0x32: {  	s1 =	sshll.u32 s19, $0xE;
	p1 =	por $0x1, $0x1;
	_ =	swait.ge [sflag:s5], $0x4000  }
0x33: {  	s0 =	sand.u32 $0x10000, s0;
	s26 =	sand.u32 $0x4000, s1;
	[sflag:s5] =	ssyncset.done $0x0  }
0x34: {  	s0 =	sshrl.u32 s0, $0x2;
	s25 =	sor.u32 $0x8000, s26;
	[sflag:s5] =	ssyncadd.s32 $0xFFFFC000  }
0x35: {  	s27 =	sadd.s32 $0x8100, s0;
	s28 =	sadd.s32 $0x410, s0;
	s0 =	simm.s32 $0x0  }
.LBB1_3:
0x36: {  	s29 =	sshll.u32 s0, $0xD;
	s31 =	sshll.u32 s0, $0x7  }
0x37: {  	p0 =	por p1, p1;
	s0 =	sand.u32 $0x3FFFFF80, s31;
	s1 =	sand.u32 $0x3FFFE000, s29  }
0x38: {  	s0 =	sadd.s32 s0, s27;
	s11 =	sadd.s32 s1, s28;
	s1 =	simm.s32 $0x0  }
.LBB1_4:
0x39: {  	s5 =	sshll.u32 s1, $0xB;
	v2 =	vld [tilespmem:s11+$0xFFFFFBF0]  }
0x3a: {  	v3 =	vld [tilespmem:s11+$0xFFFFFC00];
	s5 =	sadd.s32 s29, s5  }
0x3b: {  	v4 =	vld [tilespmem:s11+$0xFFFFFC10];
	v0 =	vmov s5  }
0x3c: {  	s12 =	simm.s32 $0x0;
	v5 =	vld [tilespmem:s11+$0xFFFFFC20]  }
0x3d: {  	v7 =	vld [tilespmem:s11+$0xFFFFFC30];
	s6 =	sand.u32 $0x300, s12  }
0x3e: {  	v8 =	vld [tilespmem:s11+$0xFFFFFC40];
	s5 =	sand.u32 $0x80, s12;
	s6 =	sadd.s32 s6, s26  }
0x3f: {  	v9 =	vld [tilespmem:s11+$0xFFFFFC50];
	s5 =	sadd.s32 s5, s6;
	[tilespmem:s0+$0xFFFFFF00] =	vst v2  }
0x40: {  	[tilespmem:s0+$0xFFFFFF10] =	vst v3;
	v1 =	vld.idx.msk [tilespmem:v0+s5+$0x400 ss:$0x1], $0xffff  }
0x41: {  	v6 =	vld [tilespmem:s11+$0xFFFFFC60];
	[tilespmem:s0+$0xFFFFFF20] =	vst v4  }
0x42: {  	v4 =	vld [tilespmem:s11+$0x0];
	[tilespmem:s0+$0xFFFFFF30] =	vst v5  }
0x43: {  	v3 =	vld [tilespmem:s11+$0x10];
	[tilespmem:s0+$0xFFFFFF40] =	vst v7  }
0x44: {  	[tilespmem:s0+$0xFFFFFF50] =	vst v8;
	v2 =	vld [tilespmem:s11+$0x30]  }
0x45: {  	s30 =	smov.u32 s0;
	s5 =	simm.s32 $0x80;
	[tilespmem:s0+$0x0] =	vst v1;
	v1 =	vld [tilespmem:s11+$0x20]  }
0x46: {  	s31 =	smov.u32 s11;
	s12 =	simm.s32 $0x100;
	[tilespmem:s0+$0xFFFFFF60] =	vst v9;
	v5 =	vld [tilespmem:s11+$0x40];
	s6 =	sand.u32 $0x300, s5  }
.LBB1_5:
0x47: {  	p1 =	sne.s32 s12, $0x380;
	s5 =	sand.u32 $0x80, s5;
	s6 =	sadd.s32 s6, s26;
	[tilespmem:s30+$0xFFFFFF70] =	vst v6;
	v6 =	vld [tilespmem:s31+$0x50]  }
0x48: {  	s6 =	sadd.s32 s5, s6;
	[tilespmem:s30+$0x10] =	vst v4;
	v4 =	vld [tilespmem:s31+$0x60];
	s5 =	smov.u32 s12  }
0x49: {  	s31 =	sadd.s32 $0x80, s31;
	v7 =	vld.idx.msk [tilespmem:v0+s6+$0x400 ss:$0x1], $0xffff;
	[tilespmem:s30+$0x20] =	vst v3  }
0x4a: {  	v3 =	vld [tilespmem:s31+$0xFFFFFBF0];
	[tilespmem:s30+$0x30] =	vst v1  }
0x4b: {  	v1 =	vld [tilespmem:s31+$0xFFFFFC00];
	[tilespmem:s30+$0x40] =	vst v2  }
0x4c: {  	v2 =	vld [tilespmem:s31+$0xFFFFFC10];
	[tilespmem:s30+$0x50] =	vst v5  }
0x4d: {  	v5 =	vld [tilespmem:s31+$0xFFFFFC20];
	[tilespmem:s30+$0x60] =	vst v6  }
0x4e: {  	v8 =	vld [tilespmem:s31+$0xFFFFFC30];
	[tilespmem:s30+$0x70] =	vst v4;
	s30 =	sadd.s32 $0x200, s30  }
0x4f: {  	v9 =	vld [tilespmem:s31+$0xFFFFFC40];
	[tilespmem:s30+$0x0] =	vst v7  }
0x50: {  	[tilespmem:s30+$0xFFFFFF00] =	vst v3;
	v7 =	vld [tilespmem:s31+$0xFFFFFC50]  }
0x51: {  	[tilespmem:s30+$0xFFFFFF10] =	vst v1;
	v6 =	vld [tilespmem:s31+$0xFFFFFC60]  }
.Ltmp3:
0x52: {  	[tilespmem:s30+$0xFFFFFF20] =	vst v2;
	v4 =	vld [tilespmem:s31+$0x0];
	(pc) =	sbr.rel @p1 .LBB1_5-.Ltmp3, $4  }
0x53: {  	[tilespmem:s30+$0xFFFFFF30] =	vst v5;
	v3 =	vld [tilespmem:s31+$0x10]  }
0x54: {  	[tilespmem:s30+$0xFFFFFF40] =	vst v8;
	v1 =	vld [tilespmem:s31+$0x20]  }
0x55: {  	[tilespmem:s30+$0xFFFFFF50] =	vst v9;
	v2 =	vld [tilespmem:s31+$0x30]  }
0x56: {  	s12 =	sadd.s32 $0x80, s12;
	s6 =	sand.u32 $0x300, s5;
	[tilespmem:s30+$0xFFFFFF60] =	vst v7;
	v5 =	vld [tilespmem:s31+$0x40]  }
0x57: {  	[tilespmem:s30+$0xFFFFFF70] =	vst v6  }
0x58: {  	v47 =	vld [tilespmem:s31+$0x50];
	[tilespmem:s30+$0x10] =	vst v4  }
0x59: {  	v48 =	vld [tilespmem:s31+$0x60];
	s12 =	sadd.s32 $0x80, s31;
	[tilespmem:s30+$0x20] =	vst v3  }
0x5a: {  	v49 =	vld [tilespmem:s12+$0xFFFFFBF0];
	[tilespmem:s30+$0x30] =	vst v1  }
0x5b: {  	v50 =	vld [tilespmem:s12+$0xFFFFFC00];
	[tilespmem:s30+$0x40] =	vst v2  }
0x5c: {  	v51 =	vld [tilespmem:s12+$0xFFFFFC10];
	[tilespmem:s30+$0x50] =	vst v5  }
0x5d: {  	v52 =	vld [tilespmem:s12+$0xFFFFFC20];
	[tilespmem:s30+$0x60] =	vst v47  }
0x5e: {  	s31 =	sadd.s32 $0x200, s30;
	v53 =	vld [tilespmem:s12+$0xFFFFFC30];
	[tilespmem:s30+$0x70] =	vst v48  }
0x5f: {  	v54 =	vld [tilespmem:s12+$0xFFFFFC40];
	[tilespmem:s31+$0xFFFFFF00] =	vst v49  }
0x60: {  	v55 =	vld [tilespmem:s12+$0xFFFFFC50];
	[tilespmem:s31+$0xFFFFFF10] =	vst v50  }
0x61: {  	v56 =	vld [tilespmem:s12+$0xFFFFFC60];
	[tilespmem:s31+$0xFFFFFF20] =	vst v51  }
0x62: {  	v57 =	vld [tilespmem:s12+$0x0];
	[tilespmem:s31+$0xFFFFFF30] =	vst v52  }
0x63: {  	v58 =	vld [tilespmem:s12+$0x10];
	[tilespmem:s31+$0xFFFFFF40] =	vst v53  }
0x64: {  	v59 =	vld [tilespmem:s12+$0x20];
	[tilespmem:s31+$0xFFFFFF50] =	vst v54  }
0x65: {  	v60 =	vld [tilespmem:s12+$0x30];
	[tilespmem:s31+$0xFFFFFF60] =	vst v55  }
0x66: {  	v61 =	vld [tilespmem:s12+$0x40];
	[tilespmem:s31+$0xFFFFFF70] =	vst v56  }
0x67: {  	s5 =	sand.u32 $0x80, s5;
	s6 =	sadd.s32 s6, s26;
	v62 =	vld [tilespmem:s12+$0x50];
	[tilespmem:s31+$0x10] =	vst v57  }
0x68: {  	s1 =	sadd.s32 $0x1, s1;
	s5 =	sadd.s32 s5, s6;
	v63 =	vld [tilespmem:s12+$0x60];
	[tilespmem:s31+$0x20] =	vst v58  }
0x69: {  	p1 =	sne.s32 s1, $0x4;
	v0 =	vld.idx.msk [tilespmem:v0+s5+$0x400 ss:$0x1], $0xffff;
	[tilespmem:s31+$0x30] =	vst v59  }
.Ltmp4:
0x6a: {  	[tilespmem:s31+$0x40] =	vst v60;
	(pc) =	sbr.rel @p1 .LBB1_4-.Ltmp4, $4  }
0x6b: {  	[tilespmem:s31+$0x50] =	vst v61  }
0x6c: {  	[tilespmem:s31+$0x60] =	vst v62  }
0x6d: {  	[tilespmem:s31+$0x70] =	vst v63  }
0x6e: {  	s0 =	sadd.s32 $0x1000, s0;
	s11 =	sadd.s32 $0x800, s11;
	[tilespmem:s31+$0x0] =	vst v0  }
.Ltmp5:
0x6f: {  	(pc) =	sbr.rel @p0 .LBB1_3-.Ltmp5, $2  }
0x70: {  	_ =	sdelay $0x2  }
0x71: {  	s0 =	simm.s32 $0x1;
	p1 =	por $0x0, $0x0  }
0x72: {  	s0 =	smul.u32 $0xE00, s24  }
0x73: {  	s1 =	smul.u32 $0x62000, s22;
	s6 =	rddreg [dreg:$0x2]  }
0x74: {  	s5 =	sshll.u32 s23, $0x4;
	s28 =	smul.u32 $0x1C00, s21;
	s0 =	sadd.s32 s6, s0  }
.Ltmp6:
0x75: {  	s5 =	sand.u32 $0x10, s5;
	s0 =	sadd.s32 s1, s0;
	(pc) =	sbr.rel .LBB1_9-.Ltmp6, $4  }
0x76: {  	s0 =	sadd.s32 s5, s0  }
0x77: {  	s29 =	sshll.u32 s20, $0x6;
	s0 =	sadd.s32 s28, s0  }
0x78: {  	s30 =	simm.s32 $0x1000;
	s31 =	simm.s32 $0xE000;
	s0 =	sadd.s32 s29, s0  }
0x79: {  	[hbm4b:s0+s30] =	stream.strided.scatter [tilespmem:s25], [sflag:$0x2], $0x4000, s31, s30, $0x38;
	[tilespmem:$0x10000] =	vst v63  }
.LBB1_10:
0x7a: {  	_ =	sfence.sel $0x180000  }
0x7b: {  	s0 =	simm.s32 $0x1;
	[bflag:$0x0] =	sbarrier.arrive $0xFFFF  }
0x7c: {  	s30 =	simm.s32 $0x2;
	[sflag:s0] =	ssyncpa.u1 $0x1  }
0x7d: {  	[sflag:s30] =	ssyncpa.u1 $0x1  }
0x7e: {  	_ =	strace $0x9000005A  }
0x7f: {  	s31 =	stileid.u32;
	[bflag:$0x2] =	sbarrier.arrive $0xFFFF  }
0x80: {  	p0 =	sne.s32 s31, $0x0;
	s0 =	rddreg [dreg:$0x1]  }
0x81: {  	s0 =	sadd.s32 @!p0 $0x100000, s0  }
0x82: {  	[sflag:s0] =	ssyncadd.tile.s32 @!p0 $0x1;
	_ =	shalt  }
.Lfunc_end1:
_tile_overlayer_lowered:
.L_overlay_start_2:
0x83: {  	(tag) =	ssettag $0x2  }
0x84: {  	s0 =	rddreg [dreg:$0x0];
	s2 =	stileid.u32  }
0x85: {  	s1 =	rddreg [dreg:$0x1];
	p0 =	sne.s32 s2, $0x0  }
0x86: {  	s3 =	rddreg [dreg:$0x2];
	[bflag:$0x3] =	sbarrier.arrive $0xFFFF;
	s2 =	simm.s32 @!p0 $0x1C01  }
0x87: {  	[timem:s3], [sflag:s2] =	dma.local @!p0 [hbm:s0], s1  }
0x88: {  	s0 =	simm.s32 @!p0 $0x1  }
0x89: {  	_ =	swait.ge @!p0 [sflag:s0], s1  }
0x8a: {  	s1 =	ssub.s32 @!p0 $0x0, s1;
	[sflag:s0] =	ssyncset.done @!p0 $0x0  }
0x8b: {  	[sflag:s0] =	ssyncadd.s32 @!p0 s1  }
0x8c: {  	[bflag:$0x3] =	sbarrier.arrive $0xFFFF  }
0x8d: {  	_ =	shalt  }

</sc_bundles>
